<compile_context>
chip_gen: v7x
topology: tpu7x:2x2x1
jax: 0.10.2.dev20260603
libtpu: 0.0.44.dev20260713+nightly
codegen_flags: <defaults>
</compile_context>

<pallas_src>
import jax
import jax.numpy as jnp
from jax import lax
from jax.experimental import pallas as pl
from jax.experimental.pallas import tpu as pltpu
from jax.experimental.pallas import tpu_sc as plsc

N = 10000
D = 128
E = 320000

NC = 2
NS = 16
NW = NC * NS

NP = 10240
CHUNK = 128
NCHUNK = 80
NCW = 88
PH = 2
CPP = NCHUNK // PH
EPW = NCHUNK * CHUNK
E2 = NW * EPW
ROWS_PER_TILE = NP // NS


def _deg_body(dst2_hbm, ones_hbm, zeros1_hbm, deg_out_hbm, didx_v, ones_v, deg_sh):
    cid = lax.axis_index("c")
    sid = lax.axis_index("s")
    wid = cid * NS + sid
    rbase = sid * ROWS_PER_TILE
    pltpu.sync_copy(zeros1_hbm.at[pl.ds(rbase, ROWS_PER_TILE)],
                    deg_sh.at[pl.ds(rbase, ROWS_PER_TILE)])
    pltpu.sync_copy(dst2_hbm.at[pl.ds(wid * NCHUNK, NCHUNK)], didx_v)
    pltpu.sync_copy(ones_hbm, ones_v)
    plsc.subcore_barrier()

    def body(j, _):
        pltpu.sync_copy(ones_v, deg_sh.at[didx_v.at[j]], add=True)
        return ()

    lax.fori_loop(0, NCHUNK, body, ())
    plsc.subcore_barrier()
    pltpu.sync_copy(deg_sh.at[pl.ds(rbase, ROWS_PER_TILE)],
                    deg_out_hbm.at[pl.ds(cid * NP + rbase, ROWS_PER_TILE)])


def _agg_body(h_hbm, src2_hbm, dst2_hbm, zeros_hbm, out_hbm,
              sidx_v, didx_v, rows0, rows1, agg_sh, gsem):
    cid = lax.axis_index("c")
    sid = lax.axis_index("s")
    wid = cid * NS + sid
    rbase = sid * ROWS_PER_TILE
    pltpu.sync_copy(zeros_hbm.at[pl.ds(rbase, ROWS_PER_TILE)],
                    agg_sh.at[pl.ds(rbase, ROWS_PER_TILE)])
    plsc.subcore_barrier()

    for p in range(PH):
        pltpu.sync_copy(
            src2_hbm.at[pl.ds(wid * NCW + p * CPP, CPP + 8)], sidx_v)
        pltpu.sync_copy(
            dst2_hbm.at[pl.ds(wid * NCHUNK + p * CPP, CPP)], didx_v)
        pltpu.async_copy(h_hbm.at[sidx_v.at[0]], rows0, gsem)

        def body(jj, _):
            j0 = jj * 2
            pltpu.make_async_copy(h_hbm.at[sidx_v.at[0]], rows0, gsem).wait()
            pltpu.async_copy(h_hbm.at[sidx_v.at[j0 + 1]], rows1, gsem)
            pltpu.sync_copy(rows0, agg_sh.at[didx_v.at[j0]], add=True)
            pltpu.make_async_copy(h_hbm.at[sidx_v.at[0]], rows1, gsem).wait()
            pltpu.async_copy(h_hbm.at[sidx_v.at[j0 + 2]], rows0, gsem)
            pltpu.sync_copy(rows1, agg_sh.at[didx_v.at[j0 + 1]], add=True)
            return ()

        lax.fori_loop(0, CPP // 2, body, ())
        pltpu.make_async_copy(h_hbm.at[sidx_v.at[0]], rows0, gsem).wait()

    plsc.subcore_barrier()
    pltpu.sync_copy(agg_sh.at[pl.ds(rbase, ROWS_PER_TILE)],
                    out_hbm.at[pl.ds(cid * NP + rbase, ROWS_PER_TILE)])


def _sc_calls():
    mesh = plsc.VectorSubcoreMesh(core_axis_name="c", subcore_axis_name="s")
    deg_call = pl.kernel(
        _deg_body,
        out_type=jax.ShapeDtypeStruct((NC * NP,), jnp.float32),
        mesh=mesh,
        scratch_types=[
            pltpu.VMEM((NCHUNK, CHUNK), jnp.int32),
            pltpu.VMEM((CHUNK,), jnp.float32),
            pltpu.VMEM_SHARED((NP,), jnp.float32),
        ],
    )
    agg_call = pl.kernel(
        _agg_body,
        out_type=jax.ShapeDtypeStruct((NC * NP, D), jnp.float32),
        mesh=mesh,
        scratch_types=[
            pltpu.VMEM((CPP + 8, CHUNK), jnp.int32),
            pltpu.VMEM((CPP, CHUNK), jnp.int32),
            pltpu.VMEM((CHUNK, D), jnp.float32),
            pltpu.VMEM((CHUNK, D), jnp.float32),
            pltpu.VMEM_SHARED((NP, D), jnp.float32),
            pltpu.SemaphoreType.DMA,
        ],
    )
    return deg_call, agg_call


def _stage_a_body(x_ref, w1_ref, degp_ref, h1p_ref, d_ref):
    dp = degp_ref[...]
    deg = dp[:N] + dp[NP:NP + N] + 1.0
    d = lax.rsqrt(deg)
    h = jnp.dot(x_ref[...], w1_ref[...], preferred_element_type=jnp.float32)
    h1p_ref[...] = h * d
    d_ref[...] = d


def _stage_b_body(s_ref, h1p_ref, d_ref, b1_ref, w2_ref, h2p_ref):
    s = s_ref[...]
    h1p = h1p_ref[...]
    d = d_ref[...]
    agg = s[:N] + s[NP:NP + N] + h1p
    out1 = jnp.tanh(agg * d + b1_ref[...])
    h2 = jnp.dot(out1, w2_ref[...], preferred_element_type=jnp.float32)
    h2p_ref[...] = h2 * d


def _stage_c_body(s_ref, h2p_ref, d_ref, b2_ref, out_ref):
    s = s_ref[...]
    agg = s[:N] + s[NP:NP + N] + h2p_ref[...]
    out_ref[...] = agg * d_ref[...] + b2_ref[...]


def kernel(x, edge_index, W1, b1, W2, b2):
    src = edge_index[0]
    dst = edge_index[1]
    npad = E2 - E
    pad_iota = lax.iota(jnp.int32, npad)
    srcp = jnp.concatenate([src, pad_iota % N])
    dstp = jnp.concatenate([dst, N + pad_iota % (NP - N)])
    src3 = srcp.reshape(NW, NCHUNK, CHUNK)
    src3 = jnp.concatenate(
        [src3, jnp.zeros((NW, NCW - NCHUNK, CHUNK), jnp.int32)], axis=1)
    src2 = src3.reshape(NW * NCW, CHUNK)
    dst2 = dstp.reshape(NW * NCHUNK, CHUNK)

    zeros2 = jnp.zeros((NP, D), jnp.float32)
    zeros1 = jnp.zeros((NP,), jnp.float32)
    ones = jnp.ones((CHUNK,), jnp.float32)
    b1r = b1.reshape(1, D)
    b2r = b2.reshape(1, D)

    deg_call, agg_call = _sc_calls()

    degp = deg_call(dst2, ones, zeros1).reshape(NC * NP, 1)

    h1p, d = pl.pallas_call(
        _stage_a_body,
        out_shape=(jax.ShapeDtypeStruct((N, D), jnp.float32),
                   jax.ShapeDtypeStruct((N, 1), jnp.float32)),
    )(x, W1, degp)

    s1 = agg_call(h1p, src2, dst2, zeros2)

    h2p = pl.pallas_call(
        _stage_b_body,
        out_shape=jax.ShapeDtypeStruct((N, D), jnp.float32),
    )(s1, h1p, d, b1r, W2)

    s2 = agg_call(h2p, src2, dst2, zeros2)

    out = pl.pallas_call(
        _stage_c_body,
        out_shape=jax.ShapeDtypeStruct((N, D), jnp.float32),
    )(s2, h2p, d, b2r)
    return out

# --- scband reference (transcript-rebuilt; emitter-appended) ---
"""Pipeline reference for scband-h-derivatie-48069273977164 (READ-ONLY COPY).

The authoritative reference and input builder live on the scoring server;
editing this copy changes nothing except your own understanding.
"""

import jax, jax.numpy as jnp
import numpy as np

N_NODES = 10000
D = 128  # size_in * 2
N_EDGES = 320000


def _glorot(key, shape):
    scale = 1.0 / np.sqrt(shape[0])
    return jax.random.uniform(key, shape, minval=-scale, maxval=scale, dtype=jnp.float32)


def setup_inputs(seed: int = 0) -> dict:
    key = jax.random.key(seed)
    ks = jax.random.split(key, 8)
    x = jax.random.normal(ks[0], (N_NODES, D), dtype=jnp.float32)
    edge_index = jax.random.randint(ks[1], (2, N_EDGES), 0, N_NODES, dtype=jnp.int32)
    W1 = _glorot(ks[2], (D, D))
    b1 = jnp.zeros((D,), dtype=jnp.float32)
    W2 = _glorot(ks[3], (D, D))
    b2 = jnp.zeros((D,), dtype=jnp.float32)
    return {"x": x, "edge_index": edge_index, "W1": W1, "b1": b1, "W2": W2, "b2": b2}


def _gcn_conv(x, src, dst, W, b, n_nodes):
    # GCNConv with normalize=True: add self-loops, symmetric normalization,
    # then D^{-1/2}(A+I)D^{-1/2} X W + b
    loop = jnp.arange(n_nodes, dtype=src.dtype)
    src_sl = jnp.concatenate([src, loop])
    dst_sl = jnp.concatenate([dst, loop])
    ones = jnp.ones(src_sl.shape[0], dtype=x.dtype)
    deg = jnp.zeros((n_nodes,), dtype=x.dtype).at[dst_sl].add(ones)
    deg_inv_sqrt = jnp.where(deg > 0, jax.lax.rsqrt(jnp.maximum(deg, 1e-12)), 0.0)
    norm = deg_inv_sqrt[src_sl] * deg_inv_sqrt[dst_sl]
    h = x @ W
    msgs = h[src_sl] * norm[:, None]
    out = jnp.zeros((n_nodes, h.shape[1]), dtype=x.dtype).at[dst_sl].add(msgs)
    return out + b


def reference(x, edge_index, W1, b1, W2, b2):
    src = edge_index[0]
    dst = edge_index[1]
    out = _gcn_conv(x, src, dst, W1, b1, N_NODES)
    out = jnp.tanh(out)
    out = _gcn_conv(out, src, dst, W2, b2, N_NODES)
    return out

if __name__ == "__main__":
    import jax
    _d = setup_inputs()
    print(jax.jit(kernel)(*tuple(_d.values())))

</pallas_src>

<mosaic_0001>
#map = affine_map<(d0, d1) -> (0, 0)>
module attributes {stable_mosaic.version = 14 : i64} {
  func.func @_agg_body(%arg0: i32, %arg1: i32, %arg2: memref<10000x128xf32, #tpu.memory_space<hbm>>, %arg3: memref<2816x128xi32, #tpu.memory_space<hbm>>, %arg4: memref<2560x128xi32, #tpu.memory_space<hbm>>, %arg5: memref<10240x128xf32, #tpu.memory_space<hbm>>, %arg6: memref<20480x128xf32, #tpu.memory_space<hbm>>, %arg7: memref<48x128xi32, #tpu.memory_space<vmem>>, %arg8: memref<40x128xi32, #tpu.memory_space<vmem>>, %arg9: memref<128x128xf32, #tpu.memory_space<vmem>>, %arg10: memref<128x128xf32, #tpu.memory_space<vmem>>, %arg11: memref<10240x128xf32, #tpu.memory_space<vmem_shared>>, %arg12: memref<!tpu.dma_semaphore, #tpu.memory_space<semaphore_mem>>) attributes {dimension_semantics = [#tpu.dimension_semantics<core_parallel>, #tpu.dimension_semantics<subcore_parallel>], iteration_bounds = array<i64: 2, 16>, scalar_prefetch = 0 : i64, scratch_operands = 6 : i64, tpu.core_type = #tpu.core_type<sc_vector_subcore>, window_params = [{transform_indices = #map}, {transform_indices = #map}, {transform_indices = #map}, {transform_indices = #map}, {transform_indices = #map}]} {
    %mul3A = arith.constant 16 : i32
    %mul3A_0 = arith.muli %arg0, %mul3A : i32
    %add3A = arith.addi %mul3A_0, %arg1 : i32
    %mul3A_1 = arith.constant 640 : i32
    %mul3A_2 = arith.muli %arg1, %mul3A_1 : i32
    "tpu.region"() ({
      %run_scoped3A = tpu.sem_alloc : memref<!tpu.dma_semaphore, #tpu.memory_space<semaphore_mem>>
      %dma_start3A_58 = arith.constant 0 : i32
      %dma_start3A_59 = tpu.memref_slice %arg11[%mul3A_2, %dma_start3A_58] : memref<10240x128xf32, #tpu.memory_space<vmem_shared>> -> memref<640x128xf32, #tpu.memory_space<vmem_shared>>
      %dma_start3A_60 = arith.constant 0 : i32
      %dma_start3A_61 = tpu.memref_slice %arg5[%mul3A_2, %dma_start3A_60] : memref<10240x128xf32, #tpu.memory_space<hbm>> -> memref<640x128xf32, #tpu.memory_space<hbm>>
      tpu.enqueue_dma source(%dma_start3A_61 : memref<640x128xf32, #tpu.memory_space<hbm>>) target(%dma_start3A_59 : memref<640x128xf32, #tpu.memory_space<vmem_shared>>) target_semaphore(%run_scoped3A : memref<!tpu.dma_semaphore, #tpu.memory_space<semaphore_mem>>)
      %dma_wait3A_62 = arith.constant 0 : i32
      %dma_wait3A_63 = tpu.memref_slice %arg11[%mul3A_2, %dma_wait3A_62] : memref<10240x128xf32, #tpu.memory_space<vmem_shared>> -> memref<640x128xf32, #tpu.memory_space<vmem_shared>>
      %dma_wait3A_64 = arith.constant 0 : i32
      %dma_wait3A_65 = tpu.memref_slice %arg5[%mul3A_2, %dma_wait3A_64] : memref<10240x128xf32, #tpu.memory_space<hbm>> -> memref<640x128xf32, #tpu.memory_space<hbm>>
      tpu.wait_dma2 semaphore(%run_scoped3A : memref<!tpu.dma_semaphore, #tpu.memory_space<semaphore_mem>>) src(%dma_wait3A_65 : memref<640x128xf32, #tpu.memory_space<hbm>>) dst(%dma_wait3A_63 : memref<640x128xf32, #tpu.memory_space<vmem_shared>>)
      tpu.yield
    }) : () -> ()
    %barrier3A = arith.constant 0 : index
    tpu.barrier barrier_id(%barrier3A)
    %mul3A_3 = arith.constant 88 : i32
    %mul3A_4 = arith.muli %add3A, %mul3A_3 : i32
    %add3A_5 = arith.constant 0 : i32
    %add3A_6 = arith.addi %mul3A_4, %add3A_5 : i32
    "tpu.region"() ({
      %run_scoped3A = tpu.sem_alloc : memref<!tpu.dma_semaphore, #tpu.memory_space<semaphore_mem>>
      %dma_start3A_58 = arith.constant 0 : i32
      %dma_start3A_59 = tpu.memref_slice %arg3[%add3A_6, %dma_start3A_58] : memref<2816x128xi32, #tpu.memory_space<hbm>> -> memref<48x128xi32, #tpu.memory_space<hbm>>
      %dma_start3A_60 = arith.constant 0 : i32
      %dma_start3A_61 = tpu.memref_slice %arg3[%add3A_6, %dma_start3A_60] : memref<2816x128xi32, #tpu.memory_space<hbm>> -> memref<48x128xi32, #tpu.memory_space<hbm>>
      tpu.enqueue_dma source(%dma_start3A_61 : memref<48x128xi32, #tpu.memory_space<hbm>>) target(%arg7 : memref<48x128xi32, #tpu.memory_space<vmem>>) target_semaphore(%run_scoped3A : memref<!tpu.dma_semaphore, #tpu.memory_space<semaphore_mem>>)
      %dma_wait3A_62 = arith.constant 0 : i32
      %dma_wait3A_63 = tpu.memref_slice %arg3[%add3A_6, %dma_wait3A_62] : memref<2816x128xi32, #tpu.memory_space<hbm>> -> memref<48x128xi32, #tpu.memory_space<hbm>>
      %dma_wait3A_64 = arith.constant 0 : i32
      %dma_wait3A_65 = tpu.memref_slice %arg3[%add3A_6, %dma_wait3A_64] : memref<2816x128xi32, #tpu.memory_space<hbm>> -> memref<48x128xi32, #tpu.memory_space<hbm>>
      tpu.wait_dma2 semaphore(%run_scoped3A : memref<!tpu.dma_semaphore, #tpu.memory_space<semaphore_mem>>) src(%dma_wait3A_65 : memref<48x128xi32, #tpu.memory_space<hbm>>) dst(%arg7 : memref<48x128xi32, #tpu.memory_space<vmem>>)
      tpu.yield
    }) : () -> ()
    %mul3A_7 = arith.constant 80 : i32
    %mul3A_8 = arith.muli %add3A, %mul3A_7 : i32
    %add3A_9 = arith.constant 0 : i32
    %add3A_10 = arith.addi %mul3A_8, %add3A_9 : i32
    "tpu.region"() ({
      %run_scoped3A = tpu.sem_alloc : memref<!tpu.dma_semaphore, #tpu.memory_space<semaphore_mem>>
      %dma_start3A_58 = arith.constant 0 : i32
      %dma_start3A_59 = tpu.memref_slice %arg4[%add3A_10, %dma_start3A_58] : memref<2560x128xi32, #tpu.memory_space<hbm>> -> memref<40x128xi32, #tpu.memory_space<hbm>>
      %dma_start3A_60 = arith.constant 0 : i32
      %dma_start3A_61 = tpu.memref_slice %arg4[%add3A_10, %dma_start3A_60] : memref<2560x128xi32, #tpu.memory_space<hbm>> -> memref<40x128xi32, #tpu.memory_space<hbm>>
      tpu.enqueue_dma source(%dma_start3A_61 : memref<40x128xi32, #tpu.memory_space<hbm>>) target(%arg8 : memref<40x128xi32, #tpu.memory_space<vmem>>) target_semaphore(%run_scoped3A : memref<!tpu.dma_semaphore, #tpu.memory_space<semaphore_mem>>)
      %dma_wait3A_62 = arith.constant 0 : i32
      %dma_wait3A_63 = tpu.memref_slice %arg4[%add3A_10, %dma_wait3A_62] : memref<2560x128xi32, #tpu.memory_space<hbm>> -> memref<40x128xi32, #tpu.memory_space<hbm>>
      %dma_wait3A_64 = arith.constant 0 : i32
      %dma_wait3A_65 = tpu.memref_slice %arg4[%add3A_10, %dma_wait3A_64] : memref<2560x128xi32, #tpu.memory_space<hbm>> -> memref<40x128xi32, #tpu.memory_space<hbm>>
      tpu.wait_dma2 semaphore(%run_scoped3A : memref<!tpu.dma_semaphore, #tpu.memory_space<semaphore_mem>>) src(%dma_wait3A_65 : memref<40x128xi32, #tpu.memory_space<hbm>>) dst(%arg8 : memref<40x128xi32, #tpu.memory_space<vmem>>)
      tpu.yield
    }) : () -> ()
    %dma_start3A = arith.constant 0 : i32
    %dma_start3A_11 = arith.constant 0 : i32
    %dma_start3A_12 = tpu.memref_slice %arg7[%dma_start3A, %dma_start3A_11] : memref<48x128xi32, #tpu.memory_space<vmem>> -> memref<1x128xi32, #tpu.memory_space<vmem>>
    %dma_start3A_13 = tpu.memref_squeeze %dma_start3A_12 : memref<1x128xi32, #tpu.memory_space<vmem>> -> memref<128xi32, #tpu.memory_space<vmem>>
    %dma_start3A_14 = arith.constant 0 : i32
    %dma_start3A_15 = arith.constant 0 : i32
    %dma_start3A_16 = tpu.memref_slice %arg2[%dma_start3A_14, %dma_start3A_15] : memref<10000x128xf32, #tpu.memory_space<hbm>> -> memref<10000x128xf32, #tpu.memory_space<hbm>>
    tpu.enqueue_indirect_dma source(%dma_start3A_16 : memref<10000x128xf32, #tpu.memory_space<hbm>>) target(%arg9 : memref<128x128xf32, #tpu.memory_space<vmem>>) offsets(%dma_start3A_13 : memref<128xi32, #tpu.memory_space<vmem>>) semaphore(%arg12 : memref<!tpu.dma_semaphore, #tpu.memory_space<semaphore_mem>>)
    %scan3A = arith.constant 0 : i32
    %scan3A_17 = arith.constant 20 : i32
    %scan3A_18 = arith.addi %scan3A, %scan3A_17 : i32
    %scan3A_19 = arith.constant 1 : i32
    scf.for %scan3A_58 = %scan3A to %scan3A_18 step %scan3A_19  : i32 {
      %mul3A_59 = arith.constant 2 : i32
      %mul3A_60 = arith.muli %scan3A_58, %mul3A_59 : i32
      %dma_wait3A_61 = arith.constant 0 : i32
      %dma_wait3A_62 = arith.constant 0 : i32
      %dma_wait3A_63 = tpu.memref_slice %arg7[%dma_wait3A_61, %dma_wait3A_62] : memref<48x128xi32, #tpu.memory_space<vmem>> -> memref<1x128xi32, #tpu.memory_space<vmem>>
      %dma_wait3A_64 = tpu.memref_squeeze %dma_wait3A_63 : memref<1x128xi32, #tpu.memory_space<vmem>> -> memref<128xi32, #tpu.memory_space<vmem>>
      %dma_wait3A_65 = arith.constant 0 : i32
      %dma_wait3A_66 = arith.constant 0 : i32
      %dma_wait3A_67 = tpu.memref_slice %arg2[%dma_wait3A_65, %dma_wait3A_66] : memref<10000x128xf32, #tpu.memory_space<hbm>> -> memref<10000x128xf32, #tpu.memory_space<hbm>>
      tpu.wait_indirect_dma semaphore(%arg12 : memref<!tpu.dma_semaphore, #tpu.memory_space<semaphore_mem>>) src(%dma_wait3A_67 : memref<10000x128xf32, #tpu.memory_space<hbm>>) dst(%arg9 : memref<128x128xf32, #tpu.memory_space<vmem>>)
      %add3A_68 = arith.constant 1 : i32
      %add3A_69 = arith.addi %mul3A_60, %add3A_68 : i32
      %dma_start3A_70 = arith.constant 0 : i32
      %dma_start3A_71 = tpu.memref_slice %arg7[%add3A_69, %dma_start3A_70] : memref<48x128xi32, #tpu.memory_space<vmem>> -> memref<1x128xi32, #tpu.memory_space<vmem>>
      %dma_start3A_72 = tpu.memref_squeeze %dma_start3A_71 : memref<1x128xi32, #tpu.memory_space<vmem>> -> memref<128xi32, #tpu.memory_space<vmem>>
      %dma_start3A_73 = arith.constant 0 : i32
      %dma_start3A_74 = arith.constant 0 : i32
      %dma_start3A_75 = tpu.memref_slice %arg2[%dma_start3A_73, %dma_start3A_74] : memref<10000x128xf32, #tpu.memory_space<hbm>> -> memref<10000x128xf32, #tpu.memory_space<hbm>>
      tpu.enqueue_indirect_dma source(%dma_start3A_75 : memref<10000x128xf32, #tpu.memory_space<hbm>>) target(%arg10 : memref<128x128xf32, #tpu.memory_space<vmem>>) offsets(%dma_start3A_72 : memref<128xi32, #tpu.memory_space<vmem>>) semaphore(%arg12 : memref<!tpu.dma_semaphore, #tpu.memory_space<semaphore_mem>>)
      "tpu.region"() ({
        %run_scoped3A = tpu.sem_alloc : memref<!tpu.dma_semaphore, #tpu.memory_space<semaphore_mem>>
        %dma_start3A_93 = arith.constant 0 : i32
        %dma_start3A_94 = tpu.memref_slice %arg8[%mul3A_60, %dma_start3A_93] : memref<40x128xi32, #tpu.memory_space<vmem>> -> memref<1x128xi32, #tpu.memory_space<vmem>>
        %dma_start3A_95 = tpu.memref_squeeze %dma_start3A_94 : memref<1x128xi32, #tpu.memory_space<vmem>> -> memref<128xi32, #tpu.memory_space<vmem>>
        %dma_start3A_96 = arith.constant 0 : i32
        %dma_start3A_97 = arith.constant 0 : i32
        %dma_start3A_98 = tpu.memref_slice %arg11[%dma_start3A_96, %dma_start3A_97] : memref<10240x128xf32, #tpu.memory_space<vmem_shared>> -> memref<10240x128xf32, #tpu.memory_space<vmem_shared>>
        tpu.enqueue_indirect_dma source(%arg9 : memref<128x128xf32, #tpu.memory_space<vmem>>) target(%dma_start3A_98 : memref<10240x128xf32, #tpu.memory_space<vmem_shared>>) offsets(%dma_start3A_95 : memref<128xi32, #tpu.memory_space<vmem>>) semaphore(%run_scoped3A : memref<!tpu.dma_semaphore, #tpu.memory_space<semaphore_mem>>) {add = true}
        %dma_wait3A_99 = arith.constant 0 : i32
        %dma_wait3A_100 = tpu.memref_slice %arg8[%mul3A_60, %dma_wait3A_99] : memref<40x128xi32, #tpu.memory_space<vmem>> -> memref<1x128xi32, #tpu.memory_space<vmem>>
        %dma_wait3A_101 = tpu.memref_squeeze %dma_wait3A_100 : memref<1x128xi32, #tpu.memory_space<vmem>> -> memref<128xi32, #tpu.memory_space<vmem>>
        %dma_wait3A_102 = arith.constant 0 : i32
        %dma_wait3A_103 = arith.constant 0 : i32
        %dma_wait3A_104 = tpu.memref_slice %arg11[%dma_wait3A_102, %dma_wait3A_103] : memref<10240x128xf32, #tpu.memory_space<vmem_shared>> -> memref<10240x128xf32, #tpu.memory_space<vmem_shared>>
        tpu.wait_indirect_dma semaphore(%run_scoped3A : memref<!tpu.dma_semaphore, #tpu.memory_space<semaphore_mem>>) src(%arg9 : memref<128x128xf32, #tpu.memory_space<vmem>>) dst(%dma_wait3A_104 : memref<10240x128xf32, #tpu.memory_space<vmem_shared>>)
        tpu.yield
      }) : () -> ()
      %dma_wait3A_76 = arith.constant 0 : i32
      %dma_wait3A_77 = arith.constant 0 : i32
      %dma_wait3A_78 = tpu.memref_slice %arg7[%dma_wait3A_76, %dma_wait3A_77] : memref<48x128xi32, #tpu.memory_space<vmem>> -> memref<1x128xi32, #tpu.memory_space<vmem>>
      %dma_wait3A_79 = tpu.memref_squeeze %dma_wait3A_78 : memref<1x128xi32, #tpu.memory_space<vmem>> -> memref<128xi32, #tpu.memory_space<vmem>>
      %dma_wait3A_80 = arith.constant 0 : i32
      %dma_wait3A_81 = arith.constant 0 : i32
      %dma_wait3A_82 = tpu.memref_slice %arg2[%dma_wait3A_80, %dma_wait3A_81] : memref<10000x128xf32, #tpu.memory_space<hbm>> -> memref<10000x128xf32, #tpu.memory_space<hbm>>
      tpu.wait_indirect_dma semaphore(%arg12 : memref<!tpu.dma_semaphore, #tpu.memory_space<semaphore_mem>>) src(%dma_wait3A_82 : memref<10000x128xf32, #tpu.memory_space<hbm>>) dst(%arg10 : memref<128x128xf32, #tpu.memory_space<vmem>>)
      %add3A_83 = arith.constant 2 : i32
      %add3A_84 = arith.addi %mul3A_60, %add3A_83 : i32
      %dma_start3A_85 = arith.constant 0 : i32
      %dma_start3A_86 = tpu.memref_slice %arg7[%add3A_84, %dma_start3A_85] : memref<48x128xi32, #tpu.memory_space<vmem>> -> memref<1x128xi32, #tpu.memory_space<vmem>>
      %dma_start3A_87 = tpu.memref_squeeze %dma_start3A_86 : memref<1x128xi32, #tpu.memory_space<vmem>> -> memref<128xi32, #tpu.memory_space<vmem>>
      %dma_start3A_88 = arith.constant 0 : i32
      %dma_start3A_89 = arith.constant 0 : i32
      %dma_start3A_90 = tpu.memref_slice %arg2[%dma_start3A_88, %dma_start3A_89] : memref<10000x128xf32, #tpu.memory_space<hbm>> -> memref<10000x128xf32, #tpu.memory_space<hbm>>
      tpu.enqueue_indirect_dma source(%dma_start3A_90 : memref<10000x128xf32, #tpu.memory_space<hbm>>) target(%arg9 : memref<128x128xf32, #tpu.memory_space<vmem>>) offsets(%dma_start3A_87 : memref<128xi32, #tpu.memory_space<vmem>>) semaphore(%arg12 : memref<!tpu.dma_semaphore, #tpu.memory_space<semaphore_mem>>)
      %add3A_91 = arith.constant 1 : i32
      %add3A_92 = arith.addi %mul3A_60, %add3A_91 : i32
      "tpu.region"() ({
        %run_scoped3A = tpu.sem_alloc : memref<!tpu.dma_semaphore, #tpu.memory_space<semaphore_mem>>
        %dma_start3A_93 = arith.constant 0 : i32
        %dma_start3A_94 = tpu.memref_slice %arg8[%add3A_92, %dma_start3A_93] : memref<40x128xi32, #tpu.memory_space<vmem>> -> memref<1x128xi32, #tpu.memory_space<vmem>>
        %dma_start3A_95 = tpu.memref_squeeze %dma_start3A_94 : memref<1x128xi32, #tpu.memory_space<vmem>> -> memref<128xi32, #tpu.memory_space<vmem>>
        %dma_start3A_96 = arith.constant 0 : i32
        %dma_start3A_97 = arith.constant 0 : i32
        %dma_start3A_98 = tpu.memref_slice %arg11[%dma_start3A_96, %dma_start3A_97] : memref<10240x128xf32, #tpu.memory_space<vmem_shared>> -> memref<10240x128xf32, #tpu.memory_space<vmem_shared>>
        tpu.enqueue_indirect_dma source(%arg10 : memref<128x128xf32, #tpu.memory_space<vmem>>) target(%dma_start3A_98 : memref<10240x128xf32, #tpu.memory_space<vmem_shared>>) offsets(%dma_start3A_95 : memref<128xi32, #tpu.memory_space<vmem>>) semaphore(%run_scoped3A : memref<!tpu.dma_semaphore, #tpu.memory_space<semaphore_mem>>) {add = true}
        %dma_wait3A_99 = arith.constant 0 : i32
        %dma_wait3A_100 = tpu.memref_slice %arg8[%add3A_92, %dma_wait3A_99] : memref<40x128xi32, #tpu.memory_space<vmem>> -> memref<1x128xi32, #tpu.memory_space<vmem>>
        %dma_wait3A_101 = tpu.memref_squeeze %dma_wait3A_100 : memref<1x128xi32, #tpu.memory_space<vmem>> -> memref<128xi32, #tpu.memory_space<vmem>>
        %dma_wait3A_102 = arith.constant 0 : i32
        %dma_wait3A_103 = arith.constant 0 : i32
        %dma_wait3A_104 = tpu.memref_slice %arg11[%dma_wait3A_102, %dma_wait3A_103] : memref<10240x128xf32, #tpu.memory_space<vmem_shared>> -> memref<10240x128xf32, #tpu.memory_space<vmem_shared>>
        tpu.wait_indirect_dma semaphore(%run_scoped3A : memref<!tpu.dma_semaphore, #tpu.memory_space<semaphore_mem>>) src(%arg10 : memref<128x128xf32, #tpu.memory_space<vmem>>) dst(%dma_wait3A_104 : memref<10240x128xf32, #tpu.memory_space<vmem_shared>>)
        tpu.yield
      }) : () -> ()
    }
    %scan3A_20 = arith.constant 20 : i32
    %dma_wait3A = arith.constant 0 : i32
    %dma_wait3A_21 = arith.constant 0 : i32
    %dma_wait3A_22 = tpu.memref_slice %arg7[%dma_wait3A, %dma_wait3A_21] : memref<48x128xi32, #tpu.memory_space<vmem>> -> memref<1x128xi32, #tpu.memory_space<vmem>>
    %dma_wait3A_23 = tpu.memref_squeeze %dma_wait3A_22 : memref<1x128xi32, #tpu.memory_space<vmem>> -> memref<128xi32, #tpu.memory_space<vmem>>
    %dma_wait3A_24 = arith.constant 0 : i32
    %dma_wait3A_25 = arith.constant 0 : i32
    %dma_wait3A_26 = tpu.memref_slice %arg2[%dma_wait3A_24, %dma_wait3A_25] : memref<10000x128xf32, #tpu.memory_space<hbm>> -> memref<10000x128xf32, #tpu.memory_space<hbm>>
    tpu.wait_indirect_dma semaphore(%arg12 : memref<!tpu.dma_semaphore, #tpu.memory_space<semaphore_mem>>) src(%dma_wait3A_26 : memref<10000x128xf32, #tpu.memory_space<hbm>>) dst(%arg9 : memref<128x128xf32, #tpu.memory_space<vmem>>)
    %mul3A_27 = arith.constant 88 : i32
    %mul3A_28 = arith.muli %add3A, %mul3A_27 : i32
    %add3A_29 = arith.constant 40 : i32
    %add3A_30 = arith.addi %mul3A_28, %add3A_29 : i32
    "tpu.region"() ({
      %run_scoped3A = tpu.sem_alloc : memref<!tpu.dma_semaphore, #tpu.memory_space<semaphore_mem>>
      %dma_start3A_58 = arith.constant 0 : i32
      %dma_start3A_59 = tpu.memref_slice %arg3[%add3A_30, %dma_start3A_58] : memref<2816x128xi32, #tpu.memory_space<hbm>> -> memref<48x128xi32, #tpu.memory_space<hbm>>
      %dma_start3A_60 = arith.constant 0 : i32
      %dma_start3A_61 = tpu.memref_slice %arg3[%add3A_30, %dma_start3A_60] : memref<2816x128xi32, #tpu.memory_space<hbm>> -> memref<48x128xi32, #tpu.memory_space<hbm>>
      tpu.enqueue_dma source(%dma_start3A_61 : memref<48x128xi32, #tpu.memory_space<hbm>>) target(%arg7 : memref<48x128xi32, #tpu.memory_space<vmem>>) target_semaphore(%run_scoped3A : memref<!tpu.dma_semaphore, #tpu.memory_space<semaphore_mem>>)
      %dma_wait3A_62 = arith.constant 0 : i32
      %dma_wait3A_63 = tpu.memref_slice %arg3[%add3A_30, %dma_wait3A_62] : memref<2816x128xi32, #tpu.memory_space<hbm>> -> memref<48x128xi32, #tpu.memory_space<hbm>>
      %dma_wait3A_64 = arith.constant 0 : i32
      %dma_wait3A_65 = tpu.memref_slice %arg3[%add3A_30, %dma_wait3A_64] : memref<2816x128xi32, #tpu.memory_space<hbm>> -> memref<48x128xi32, #tpu.memory_space<hbm>>
      tpu.wait_dma2 semaphore(%run_scoped3A : memref<!tpu.dma_semaphore, #tpu.memory_space<semaphore_mem>>) src(%dma_wait3A_65 : memref<48x128xi32, #tpu.memory_space<hbm>>) dst(%arg7 : memref<48x128xi32, #tpu.memory_space<vmem>>)
      tpu.yield
    }) : () -> ()
    %mul3A_31 = arith.constant 80 : i32
    %mul3A_32 = arith.muli %add3A, %mul3A_31 : i32
    %add3A_33 = arith.constant 40 : i32
    %add3A_34 = arith.addi %mul3A_32, %add3A_33 : i32
    "tpu.region"() ({
      %run_scoped3A = tpu.sem_alloc : memref<!tpu.dma_semaphore, #tpu.memory_space<semaphore_mem>>
      %dma_start3A_58 = arith.constant 0 : i32
      %dma_start3A_59 = tpu.memref_slice %arg4[%add3A_34, %dma_start3A_58] : memref<2560x128xi32, #tpu.memory_space<hbm>> -> memref<40x128xi32, #tpu.memory_space<hbm>>
      %dma_start3A_60 = arith.constant 0 : i32
      %dma_start3A_61 = tpu.memref_slice %arg4[%add3A_34, %dma_start3A_60] : memref<2560x128xi32, #tpu.memory_space<hbm>> -> memref<40x128xi32, #tpu.memory_space<hbm>>
      tpu.enqueue_dma source(%dma_start3A_61 : memref<40x128xi32, #tpu.memory_space<hbm>>) target(%arg8 : memref<40x128xi32, #tpu.memory_space<vmem>>) target_semaphore(%run_scoped3A : memref<!tpu.dma_semaphore, #tpu.memory_space<semaphore_mem>>)
      %dma_wait3A_62 = arith.constant 0 : i32
      %dma_wait3A_63 = tpu.memref_slice %arg4[%add3A_34, %dma_wait3A_62] : memref<2560x128xi32, #tpu.memory_space<hbm>> -> memref<40x128xi32, #tpu.memory_space<hbm>>
      %dma_wait3A_64 = arith.constant 0 : i32
      %dma_wait3A_65 = tpu.memref_slice %arg4[%add3A_34, %dma_wait3A_64] : memref<2560x128xi32, #tpu.memory_space<hbm>> -> memref<40x128xi32, #tpu.memory_space<hbm>>
      tpu.wait_dma2 semaphore(%run_scoped3A : memref<!tpu.dma_semaphore, #tpu.memory_space<semaphore_mem>>) src(%dma_wait3A_65 : memref<40x128xi32, #tpu.memory_space<hbm>>) dst(%arg8 : memref<40x128xi32, #tpu.memory_space<vmem>>)
      tpu.yield
    }) : () -> ()
    %dma_start3A_35 = arith.constant 0 : i32
    %dma_start3A_36 = arith.constant 0 : i32
    %dma_start3A_37 = tpu.memref_slice %arg7[%dma_start3A_35, %dma_start3A_36] : memref<48x128xi32, #tpu.memory_space<vmem>> -> memref<1x128xi32, #tpu.memory_space<vmem>>
    %dma_start3A_38 = tpu.memref_squeeze %dma_start3A_37 : memref<1x128xi32, #tpu.memory_space<vmem>> -> memref<128xi32, #tpu.memory_space<vmem>>
    %dma_start3A_39 = arith.constant 0 : i32
    %dma_start3A_40 = arith.constant 0 : i32
    %dma_start3A_41 = tpu.memref_slice %arg2[%dma_start3A_39, %dma_start3A_40] : memref<10000x128xf32, #tpu.memory_space<hbm>> -> memref<10000x128xf32, #tpu.memory_space<hbm>>
    tpu.enqueue_indirect_dma source(%dma_start3A_41 : memref<10000x128xf32, #tpu.memory_space<hbm>>) target(%arg9 : memref<128x128xf32, #tpu.memory_space<vmem>>) offsets(%dma_start3A_38 : memref<128xi32, #tpu.memory_space<vmem>>) semaphore(%arg12 : memref<!tpu.dma_semaphore, #tpu.memory_space<semaphore_mem>>)
    %scan3A_42 = arith.constant 0 : i32
    %scan3A_43 = arith.constant 20 : i32
    %scan3A_44 = arith.addi %scan3A_42, %scan3A_43 : i32
    %scan3A_45 = arith.constant 1 : i32
    scf.for %scan3A_58 = %scan3A_42 to %scan3A_44 step %scan3A_45  : i32 {
      %mul3A_59 = arith.constant 2 : i32
      %mul3A_60 = arith.muli %scan3A_58, %mul3A_59 : i32
      %dma_wait3A_61 = arith.constant 0 : i32
      %dma_wait3A_62 = arith.constant 0 : i32
      %dma_wait3A_63 = tpu.memref_slice %arg7[%dma_wait3A_61, %dma_wait3A_62] : memref<48x128xi32, #tpu.memory_space<vmem>> -> memref<1x128xi32, #tpu.memory_space<vmem>>
      %dma_wait3A_64 = tpu.memref_squeeze %dma_wait3A_63 : memref<1x128xi32, #tpu.memory_space<vmem>> -> memref<128xi32, #tpu.memory_space<vmem>>
      %dma_wait3A_65 = arith.constant 0 : i32
      %dma_wait3A_66 = arith.constant 0 : i32
      %dma_wait3A_67 = tpu.memref_slice %arg2[%dma_wait3A_65, %dma_wait3A_66] : memref<10000x128xf32, #tpu.memory_space<hbm>> -> memref<10000x128xf32, #tpu.memory_space<hbm>>
      tpu.wait_indirect_dma semaphore(%arg12 : memref<!tpu.dma_semaphore, #tpu.memory_space<semaphore_mem>>) src(%dma_wait3A_67 : memref<10000x128xf32, #tpu.memory_space<hbm>>) dst(%arg9 : memref<128x128xf32, #tpu.memory_space<vmem>>)
      %add3A_68 = arith.constant 1 : i32
      %add3A_69 = arith.addi %mul3A_60, %add3A_68 : i32
      %dma_start3A_70 = arith.constant 0 : i32
      %dma_start3A_71 = tpu.memref_slice %arg7[%add3A_69, %dma_start3A_70] : memref<48x128xi32, #tpu.memory_space<vmem>> -> memref<1x128xi32, #tpu.memory_space<vmem>>
      %dma_start3A_72 = tpu.memref_squeeze %dma_start3A_71 : memref<1x128xi32, #tpu.memory_space<vmem>> -> memref<128xi32, #tpu.memory_space<vmem>>
      %dma_start3A_73 = arith.constant 0 : i32
      %dma_start3A_74 = arith.constant 0 : i32
      %dma_start3A_75 = tpu.memref_slice %arg2[%dma_start3A_73, %dma_start3A_74] : memref<10000x128xf32, #tpu.memory_space<hbm>> -> memref<10000x128xf32, #tpu.memory_space<hbm>>
      tpu.enqueue_indirect_dma source(%dma_start3A_75 : memref<10000x128xf32, #tpu.memory_space<hbm>>) target(%arg10 : memref<128x128xf32, #tpu.memory_space<vmem>>) offsets(%dma_start3A_72 : memref<128xi32, #tpu.memory_space<vmem>>) semaphore(%arg12 : memref<!tpu.dma_semaphore, #tpu.memory_space<semaphore_mem>>)
      "tpu.region"() ({
        %run_scoped3A = tpu.sem_alloc : memref<!tpu.dma_semaphore, #tpu.memory_space<semaphore_mem>>
        %dma_start3A_93 = arith.constant 0 : i32
        %dma_start3A_94 = tpu.memref_slice %arg8[%mul3A_60, %dma_start3A_93] : memref<40x128xi32, #tpu.memory_space<vmem>> -> memref<1x128xi32, #tpu.memory_space<vmem>>
        %dma_start3A_95 = tpu.memref_squeeze %dma_start3A_94 : memref<1x128xi32, #tpu.memory_space<vmem>> -> memref<128xi32, #tpu.memory_space<vmem>>
        %dma_start3A_96 = arith.constant 0 : i32
        %dma_start3A_97 = arith.constant 0 : i32
        %dma_start3A_98 = tpu.memref_slice %arg11[%dma_start3A_96, %dma_start3A_97] : memref<10240x128xf32, #tpu.memory_space<vmem_shared>> -> memref<10240x128xf32, #tpu.memory_space<vmem_shared>>
        tpu.enqueue_indirect_dma source(%arg9 : memref<128x128xf32, #tpu.memory_space<vmem>>) target(%dma_start3A_98 : memref<10240x128xf32, #tpu.memory_space<vmem_shared>>) offsets(%dma_start3A_95 : memref<128xi32, #tpu.memory_space<vmem>>) semaphore(%run_scoped3A : memref<!tpu.dma_semaphore, #tpu.memory_space<semaphore_mem>>) {add = true}
        %dma_wait3A_99 = arith.constant 0 : i32
        %dma_wait3A_100 = tpu.memref_slice %arg8[%mul3A_60, %dma_wait3A_99] : memref<40x128xi32, #tpu.memory_space<vmem>> -> memref<1x128xi32, #tpu.memory_space<vmem>>
        %dma_wait3A_101 = tpu.memref_squeeze %dma_wait3A_100 : memref<1x128xi32, #tpu.memory_space<vmem>> -> memref<128xi32, #tpu.memory_space<vmem>>
        %dma_wait3A_102 = arith.constant 0 : i32
        %dma_wait3A_103 = arith.constant 0 : i32
        %dma_wait3A_104 = tpu.memref_slice %arg11[%dma_wait3A_102, %dma_wait3A_103] : memref<10240x128xf32, #tpu.memory_space<vmem_shared>> -> memref<10240x128xf32, #tpu.memory_space<vmem_shared>>
        tpu.wait_indirect_dma semaphore(%run_scoped3A : memref<!tpu.dma_semaphore, #tpu.memory_space<semaphore_mem>>) src(%arg9 : memref<128x128xf32, #tpu.memory_space<vmem>>) dst(%dma_wait3A_104 : memref<10240x128xf32, #tpu.memory_space<vmem_shared>>)
        tpu.yield
      }) : () -> ()
      %dma_wait3A_76 = arith.constant 0 : i32
      %dma_wait3A_77 = arith.constant 0 : i32
      %dma_wait3A_78 = tpu.memref_slice %arg7[%dma_wait3A_76, %dma_wait3A_77] : memref<48x128xi32, #tpu.memory_space<vmem>> -> memref<1x128xi32, #tpu.memory_space<vmem>>
      %dma_wait3A_79 = tpu.memref_squeeze %dma_wait3A_78 : memref<1x128xi32, #tpu.memory_space<vmem>> -> memref<128xi32, #tpu.memory_space<vmem>>
      %dma_wait3A_80 = arith.constant 0 : i32
      %dma_wait3A_81 = arith.constant 0 : i32
      %dma_wait3A_82 = tpu.memref_slice %arg2[%dma_wait3A_80, %dma_wait3A_81] : memref<10000x128xf32, #tpu.memory_space<hbm>> -> memref<10000x128xf32, #tpu.memory_space<hbm>>
      tpu.wait_indirect_dma semaphore(%arg12 : memref<!tpu.dma_semaphore, #tpu.memory_space<semaphore_mem>>) src(%dma_wait3A_82 : memref<10000x128xf32, #tpu.memory_space<hbm>>) dst(%arg10 : memref<128x128xf32, #tpu.memory_space<vmem>>)
      %add3A_83 = arith.constant 2 : i32
      %add3A_84 = arith.addi %mul3A_60, %add3A_83 : i32
      %dma_start3A_85 = arith.constant 0 : i32
      %dma_start3A_86 = tpu.memref_slice %arg7[%add3A_84, %dma_start3A_85] : memref<48x128xi32, #tpu.memory_space<vmem>> -> memref<1x128xi32, #tpu.memory_space<vmem>>
      %dma_start3A_87 = tpu.memref_squeeze %dma_start3A_86 : memref<1x128xi32, #tpu.memory_space<vmem>> -> memref<128xi32, #tpu.memory_space<vmem>>
      %dma_start3A_88 = arith.constant 0 : i32
      %dma_start3A_89 = arith.constant 0 : i32
      %dma_start3A_90 = tpu.memref_slice %arg2[%dma_start3A_88, %dma_start3A_89] : memref<10000x128xf32, #tpu.memory_space<hbm>> -> memref<10000x128xf32, #tpu.memory_space<hbm>>
      tpu.enqueue_indirect_dma source(%dma_start3A_90 : memref<10000x128xf32, #tpu.memory_space<hbm>>) target(%arg9 : memref<128x128xf32, #tpu.memory_space<vmem>>) offsets(%dma_start3A_87 : memref<128xi32, #tpu.memory_space<vmem>>) semaphore(%arg12 : memref<!tpu.dma_semaphore, #tpu.memory_space<semaphore_mem>>)
      %add3A_91 = arith.constant 1 : i32
      %add3A_92 = arith.addi %mul3A_60, %add3A_91 : i32
      "tpu.region"() ({
        %run_scoped3A = tpu.sem_alloc : memref<!tpu.dma_semaphore, #tpu.memory_space<semaphore_mem>>
        %dma_start3A_93 = arith.constant 0 : i32
        %dma_start3A_94 = tpu.memref_slice %arg8[%add3A_92, %dma_start3A_93] : memref<40x128xi32, #tpu.memory_space<vmem>> -> memref<1x128xi32, #tpu.memory_space<vmem>>
        %dma_start3A_95 = tpu.memref_squeeze %dma_start3A_94 : memref<1x128xi32, #tpu.memory_space<vmem>> -> memref<128xi32, #tpu.memory_space<vmem>>
        %dma_start3A_96 = arith.constant 0 : i32
        %dma_start3A_97 = arith.constant 0 : i32
        %dma_start3A_98 = tpu.memref_slice %arg11[%dma_start3A_96, %dma_start3A_97] : memref<10240x128xf32, #tpu.memory_space<vmem_shared>> -> memref<10240x128xf32, #tpu.memory_space<vmem_shared>>
        tpu.enqueue_indirect_dma source(%arg10 : memref<128x128xf32, #tpu.memory_space<vmem>>) target(%dma_start3A_98 : memref<10240x128xf32, #tpu.memory_space<vmem_shared>>) offsets(%dma_start3A_95 : memref<128xi32, #tpu.memory_space<vmem>>) semaphore(%run_scoped3A : memref<!tpu.dma_semaphore, #tpu.memory_space<semaphore_mem>>) {add = true}
        %dma_wait3A_99 = arith.constant 0 : i32
        %dma_wait3A_100 = tpu.memref_slice %arg8[%add3A_92, %dma_wait3A_99] : memref<40x128xi32, #tpu.memory_space<vmem>> -> memref<1x128xi32, #tpu.memory_space<vmem>>
        %dma_wait3A_101 = tpu.memref_squeeze %dma_wait3A_100 : memref<1x128xi32, #tpu.memory_space<vmem>> -> memref<128xi32, #tpu.memory_space<vmem>>
        %dma_wait3A_102 = arith.constant 0 : i32
        %dma_wait3A_103 = arith.constant 0 : i32
        %dma_wait3A_104 = tpu.memref_slice %arg11[%dma_wait3A_102, %dma_wait3A_103] : memref<10240x128xf32, #tpu.memory_space<vmem_shared>> -> memref<10240x128xf32, #tpu.memory_space<vmem_shared>>
        tpu.wait_indirect_dma semaphore(%run_scoped3A : memref<!tpu.dma_semaphore, #tpu.memory_space<semaphore_mem>>) src(%arg10 : memref<128x128xf32, #tpu.memory_space<vmem>>) dst(%dma_wait3A_104 : memref<10240x128xf32, #tpu.memory_space<vmem_shared>>)
        tpu.yield
      }) : () -> ()
    }
    %scan3A_46 = arith.constant 20 : i32
    %dma_wait3A_47 = arith.constant 0 : i32
    %dma_wait3A_48 = arith.constant 0 : i32
    %dma_wait3A_49 = tpu.memref_slice %arg7[%dma_wait3A_47, %dma_wait3A_48] : memref<48x128xi32, #tpu.memory_space<vmem>> -> memref<1x128xi32, #tpu.memory_space<vmem>>
    %dma_wait3A_50 = tpu.memref_squeeze %dma_wait3A_49 : memref<1x128xi32, #tpu.memory_space<vmem>> -> memref<128xi32, #tpu.memory_space<vmem>>
    %dma_wait3A_51 = arith.constant 0 : i32
    %dma_wait3A_52 = arith.constant 0 : i32
    %dma_wait3A_53 = tpu.memref_slice %arg2[%dma_wait3A_51, %dma_wait3A_52] : memref<10000x128xf32, #tpu.memory_space<hbm>> -> memref<10000x128xf32, #tpu.memory_space<hbm>>
    tpu.wait_indirect_dma semaphore(%arg12 : memref<!tpu.dma_semaphore, #tpu.memory_space<semaphore_mem>>) src(%dma_wait3A_53 : memref<10000x128xf32, #tpu.memory_space<hbm>>) dst(%arg9 : memref<128x128xf32, #tpu.memory_space<vmem>>)
    %barrier3A_54 = arith.constant 0 : index
    tpu.barrier barrier_id(%barrier3A_54)
    %mul3A_55 = arith.constant 10240 : i32
    %mul3A_56 = arith.muli %arg0, %mul3A_55 : i32
    %add3A_57 = arith.addi %mul3A_56, %mul3A_2 : i32
    "tpu.region"() ({
      %run_scoped3A = tpu.sem_alloc : memref<!tpu.dma_semaphore, #tpu.memory_space<semaphore_mem>>
      %dma_start3A_58 = arith.constant 0 : i32
      %dma_start3A_59 = tpu.memref_slice %arg6[%add3A_57, %dma_start3A_58] : memref<20480x128xf32, #tpu.memory_space<hbm>> -> memref<640x128xf32, #tpu.memory_space<hbm>>
      %dma_start3A_60 = arith.constant 0 : i32
      %dma_start3A_61 = tpu.memref_slice %arg11[%mul3A_2, %dma_start3A_60] : memref<10240x128xf32, #tpu.memory_space<vmem_shared>> -> memref<640x128xf32, #tpu.memory_space<vmem_shared>>
      tpu.enqueue_dma source(%dma_start3A_61 : memref<640x128xf32, #tpu.memory_space<vmem_shared>>) target(%dma_start3A_59 : memref<640x128xf32, #tpu.memory_space<hbm>>) target_semaphore(%run_scoped3A : memref<!tpu.dma_semaphore, #tpu.memory_space<semaphore_mem>>)
      %dma_wait3A_62 = arith.constant 0 : i32
      %dma_wait3A_63 = tpu.memref_slice %arg6[%add3A_57, %dma_wait3A_62] : memref<20480x128xf32, #tpu.memory_space<hbm>> -> memref<640x128xf32, #tpu.memory_space<hbm>>
      %dma_wait3A_64 = arith.constant 0 : i32
      %dma_wait3A_65 = tpu.memref_slice %arg11[%mul3A_2, %dma_wait3A_64] : memref<10240x128xf32, #tpu.memory_space<vmem_shared>> -> memref<640x128xf32, #tpu.memory_space<vmem_shared>>
      tpu.wait_dma2 semaphore(%run_scoped3A : memref<!tpu.dma_semaphore, #tpu.memory_space<semaphore_mem>>) src(%dma_wait3A_65 : memref<640x128xf32, #tpu.memory_space<vmem_shared>>) dst(%dma_wait3A_63 : memref<640x128xf32, #tpu.memory_space<hbm>>)
      tpu.yield
    }) : () -> ()
    return
  }
}

#map = affine_map<(d0, d1) -> (0, 0)>
#map1 = affine_map<(d0, d1) -> (0)>
module attributes {stable_mosaic.version = 14 : i64} {
  func.func @_deg_body(%arg0: i32, %arg1: i32, %arg2: memref<2560x128xi32, #tpu.memory_space<hbm>>, %arg3: memref<128xf32, #tpu.memory_space<hbm>>, %arg4: memref<10240xf32, #tpu.memory_space<hbm>>, %arg5: memref<20480xf32, #tpu.memory_space<hbm>>, %arg6: memref<80x128xi32, #tpu.memory_space<vmem>>, %arg7: memref<128xf32, #tpu.memory_space<vmem>>, %arg8: memref<10240xf32, #tpu.memory_space<vmem_shared>>) attributes {dimension_semantics = [#tpu.dimension_semantics<core_parallel>, #tpu.dimension_semantics<subcore_parallel>], iteration_bounds = array<i64: 2, 16>, scalar_prefetch = 0 : i64, scratch_operands = 3 : i64, tpu.core_type = #tpu.core_type<sc_vector_subcore>, window_params = [{transform_indices = #map}, {transform_indices = #map1}, {transform_indices = #map1}, {transform_indices = #map1}]} {
    %mul3A = arith.constant 16 : i32
    %mul3A_0 = arith.muli %arg0, %mul3A : i32
    %add3A = arith.addi %mul3A_0, %arg1 : i32
    %mul3A_1 = arith.constant 640 : i32
    %mul3A_2 = arith.muli %arg1, %mul3A_1 : i32
    "tpu.region"() ({
      %run_scoped3A = tpu.sem_alloc : memref<!tpu.dma_semaphore, #tpu.memory_space<semaphore_mem>>
      %dma_start3A = tpu.memref_slice %arg8[%mul3A_2] : memref<10240xf32, #tpu.memory_space<vmem_shared>> -> memref<640xf32, #tpu.memory_space<vmem_shared>>
      %dma_start3A_13 = tpu.memref_slice %arg4[%mul3A_2] : memref<10240xf32, #tpu.memory_space<hbm>> -> memref<640xf32, #tpu.memory_space<hbm>>
      tpu.enqueue_dma source(%dma_start3A_13 : memref<640xf32, #tpu.memory_space<hbm>>) target(%dma_start3A : memref<640xf32, #tpu.memory_space<vmem_shared>>) target_semaphore(%run_scoped3A : memref<!tpu.dma_semaphore, #tpu.memory_space<semaphore_mem>>)
      %dma_wait3A = tpu.memref_slice %arg8[%mul3A_2] : memref<10240xf32, #tpu.memory_space<vmem_shared>> -> memref<640xf32, #tpu.memory_space<vmem_shared>>
      %dma_wait3A_14 = tpu.memref_slice %arg4[%mul3A_2] : memref<10240xf32, #tpu.memory_space<hbm>> -> memref<640xf32, #tpu.memory_space<hbm>>
      tpu.wait_dma2 semaphore(%run_scoped3A : memref<!tpu.dma_semaphore, #tpu.memory_space<semaphore_mem>>) src(%dma_wait3A_14 : memref<640xf32, #tpu.memory_space<hbm>>) dst(%dma_wait3A : memref<640xf32, #tpu.memory_space<vmem_shared>>)
      tpu.yield
    }) : () -> ()
    %mul3A_3 = arith.constant 80 : i32
    %mul3A_4 = arith.muli %add3A, %mul3A_3 : i32
    "tpu.region"() ({
      %run_scoped3A = tpu.sem_alloc : memref<!tpu.dma_semaphore, #tpu.memory_space<semaphore_mem>>
      %dma_start3A = arith.constant 0 : i32
      %dma_start3A_13 = tpu.memref_slice %arg2[%mul3A_4, %dma_start3A] : memref<2560x128xi32, #tpu.memory_space<hbm>> -> memref<80x128xi32, #tpu.memory_space<hbm>>
      %dma_start3A_14 = arith.constant 0 : i32
      %dma_start3A_15 = tpu.memref_slice %arg2[%mul3A_4, %dma_start3A_14] : memref<2560x128xi32, #tpu.memory_space<hbm>> -> memref<80x128xi32, #tpu.memory_space<hbm>>
      tpu.enqueue_dma source(%dma_start3A_15 : memref<80x128xi32, #tpu.memory_space<hbm>>) target(%arg6 : memref<80x128xi32, #tpu.memory_space<vmem>>) target_semaphore(%run_scoped3A : memref<!tpu.dma_semaphore, #tpu.memory_space<semaphore_mem>>)
      %dma_wait3A = arith.constant 0 : i32
      %dma_wait3A_16 = tpu.memref_slice %arg2[%mul3A_4, %dma_wait3A] : memref<2560x128xi32, #tpu.memory_space<hbm>> -> memref<80x128xi32, #tpu.memory_space<hbm>>
      %dma_wait3A_17 = arith.constant 0 : i32
      %dma_wait3A_18 = tpu.memref_slice %arg2[%mul3A_4, %dma_wait3A_17] : memref<2560x128xi32, #tpu.memory_space<hbm>> -> memref<80x128xi32, #tpu.memory_space<hbm>>
      tpu.wait_dma2 semaphore(%run_scoped3A : memref<!tpu.dma_semaphore, #tpu.memory_space<semaphore_mem>>) src(%dma_wait3A_18 : memref<80x128xi32, #tpu.memory_space<hbm>>) dst(%arg6 : memref<80x128xi32, #tpu.memory_space<vmem>>)
      tpu.yield
    }) : () -> ()
    "tpu.region"() ({
      %run_scoped3A = tpu.sem_alloc : memref<!tpu.dma_semaphore, #tpu.memory_space<semaphore_mem>>
      tpu.enqueue_dma source(%arg3 : memref<128xf32, #tpu.memory_space<hbm>>) target(%arg7 : memref<128xf32, #tpu.memory_space<vmem>>) target_semaphore(%run_scoped3A : memref<!tpu.dma_semaphore, #tpu.memory_space<semaphore_mem>>)
      tpu.wait_dma2 semaphore(%run_scoped3A : memref<!tpu.dma_semaphore, #tpu.memory_space<semaphore_mem>>) src(%arg3 : memref<128xf32, #tpu.memory_space<hbm>>) dst(%arg7 : memref<128xf32, #tpu.memory_space<vmem>>)
      tpu.yield
    }) : () -> ()
    %barrier3A = arith.constant 0 : index
    tpu.barrier barrier_id(%barrier3A)
    %scan3A = arith.constant 0 : i32
    %scan3A_5 = arith.constant 80 : i32
    %scan3A_6 = arith.addi %scan3A, %scan3A_5 : i32
    %scan3A_7 = arith.constant 1 : i32
    scf.for %scan3A_13 = %scan3A to %scan3A_6 step %scan3A_7  : i32 {
      "tpu.region"() ({
        %run_scoped3A = tpu.sem_alloc : memref<!tpu.dma_semaphore, #tpu.memory_space<semaphore_mem>>
        %dma_start3A = arith.constant 0 : i32
        %dma_start3A_14 = tpu.memref_slice %arg6[%scan3A_13, %dma_start3A] : memref<80x128xi32, #tpu.memory_space<vmem>> -> memref<1x128xi32, #tpu.memory_space<vmem>>
        %dma_start3A_15 = tpu.memref_squeeze %dma_start3A_14 : memref<1x128xi32, #tpu.memory_space<vmem>> -> memref<128xi32, #tpu.memory_space<vmem>>
        %dma_start3A_16 = arith.constant 0 : i32
        %dma_start3A_17 = tpu.memref_slice %arg8[%dma_start3A_16] : memref<10240xf32, #tpu.memory_space<vmem_shared>> -> memref<10240xf32, #tpu.memory_space<vmem_shared>>
        tpu.enqueue_indirect_dma source(%arg7 : memref<128xf32, #tpu.memory_space<vmem>>) target(%dma_start3A_17 : memref<10240xf32, #tpu.memory_space<vmem_shared>>) offsets(%dma_start3A_15 : memref<128xi32, #tpu.memory_space<vmem>>) semaphore(%run_scoped3A : memref<!tpu.dma_semaphore, #tpu.memory_space<semaphore_mem>>) {add = true}
        %dma_wait3A = arith.constant 0 : i32
        %dma_wait3A_18 = tpu.memref_slice %arg6[%scan3A_13, %dma_wait3A] : memref<80x128xi32, #tpu.memory_space<vmem>> -> memref<1x128xi32, #tpu.memory_space<vmem>>
        %dma_wait3A_19 = tpu.memref_squeeze %dma_wait3A_18 : memref<1x128xi32, #tpu.memory_space<vmem>> -> memref<128xi32, #tpu.memory_space<vmem>>
        %dma_wait3A_20 = arith.constant 0 : i32
        %dma_wait3A_21 = tpu.memref_slice %arg8[%dma_wait3A_20] : memref<10240xf32, #tpu.memory_space<vmem_shared>> -> memref<10240xf32, #tpu.memory_space<vmem_shared>>
        tpu.wait_indirect_dma semaphore(%run_scoped3A : memref<!tpu.dma_semaphore, #tpu.memory_space<semaphore_mem>>) src(%arg7 : memref<128xf32, #tpu.memory_space<vmem>>) dst(%dma_wait3A_21 : memref<10240xf32, #tpu.memory_space<vmem_shared>>)
        tpu.yield
      }) : () -> ()
    }
    %scan3A_8 = arith.constant 80 : i32
    %barrier3A_9 = arith.constant 0 : index
    tpu.barrier barrier_id(%barrier3A_9)
    %mul3A_10 = arith.constant 10240 : i32
    %mul3A_11 = arith.muli %arg0, %mul3A_10 : i32
    %add3A_12 = arith.addi %mul3A_11, %mul3A_2 : i32
    "tpu.region"() ({
      %run_scoped3A = tpu.sem_alloc : memref<!tpu.dma_semaphore, #tpu.memory_space<semaphore_mem>>
      %dma_start3A = tpu.memref_slice %arg5[%add3A_12] : memref<20480xf32, #tpu.memory_space<hbm>> -> memref<640xf32, #tpu.memory_space<hbm>>
      %dma_start3A_13 = tpu.memref_slice %arg8[%mul3A_2] : memref<10240xf32, #tpu.memory_space<vmem_shared>> -> memref<640xf32, #tpu.memory_space<vmem_shared>>
      tpu.enqueue_dma source(%dma_start3A_13 : memref<640xf32, #tpu.memory_space<vmem_shared>>) target(%dma_start3A : memref<640xf32, #tpu.memory_space<hbm>>) target_semaphore(%run_scoped3A : memref<!tpu.dma_semaphore, #tpu.memory_space<semaphore_mem>>)
      %dma_wait3A = tpu.memref_slice %arg5[%add3A_12] : memref<20480xf32, #tpu.memory_space<hbm>> -> memref<640xf32, #tpu.memory_space<hbm>>
      %dma_wait3A_14 = tpu.memref_slice %arg8[%mul3A_2] : memref<10240xf32, #tpu.memory_space<vmem_shared>> -> memref<640xf32, #tpu.memory_space<vmem_shared>>
      tpu.wait_dma2 semaphore(%run_scoped3A : memref<!tpu.dma_semaphore, #tpu.memory_space<semaphore_mem>>) src(%dma_wait3A_14 : memref<640xf32, #tpu.memory_space<vmem_shared>>) dst(%dma_wait3A : memref<640xf32, #tpu.memory_space<hbm>>)
      tpu.yield
    }) : () -> ()
    return
  }
}

#map = affine_map<(d0, d1) -> (0, 0)>
module attributes {stable_mosaic.version = 14 : i64} {
  func.func @_agg_body(%arg0: i32, %arg1: i32, %arg2: memref<10000x128xf32, #tpu.memory_space<hbm>>, %arg3: memref<2816x128xi32, #tpu.memory_space<hbm>>, %arg4: memref<2560x128xi32, #tpu.memory_space<hbm>>, %arg5: memref<10240x128xf32, #tpu.memory_space<hbm>>, %arg6: memref<20480x128xf32, #tpu.memory_space<hbm>>, %arg7: memref<48x128xi32, #tpu.memory_space<vmem>>, %arg8: memref<40x128xi32, #tpu.memory_space<vmem>>, %arg9: memref<128x128xf32, #tpu.memory_space<vmem>>, %arg10: memref<128x128xf32, #tpu.memory_space<vmem>>, %arg11: memref<10240x128xf32, #tpu.memory_space<vmem_shared>>, %arg12: memref<!tpu.dma_semaphore, #tpu.memory_space<semaphore_mem>>) attributes {dimension_semantics = [#tpu.dimension_semantics<core_parallel>, #tpu.dimension_semantics<subcore_parallel>], iteration_bounds = array<i64: 2, 16>, scalar_prefetch = 0 : i64, scratch_operands = 6 : i64, tpu.core_type = #tpu.core_type<sc_vector_subcore>, window_params = [{transform_indices = #map}, {transform_indices = #map}, {transform_indices = #map}, {transform_indices = #map}, {transform_indices = #map}]} {
    %mul3A = arith.constant 16 : i32
    %mul3A_0 = arith.muli %arg0, %mul3A : i32
    %add3A = arith.addi %mul3A_0, %arg1 : i32
    %mul3A_1 = arith.constant 640 : i32
    %mul3A_2 = arith.muli %arg1, %mul3A_1 : i32
    "tpu.region"() ({
      %run_scoped3A = tpu.sem_alloc : memref<!tpu.dma_semaphore, #tpu.memory_space<semaphore_mem>>
      %dma_start3A_58 = arith.constant 0 : i32
      %dma_start3A_59 = tpu.memref_slice %arg11[%mul3A_2, %dma_start3A_58] : memref<10240x128xf32, #tpu.memory_space<vmem_shared>> -> memref<640x128xf32, #tpu.memory_space<vmem_shared>>
      %dma_start3A_60 = arith.constant 0 : i32
      %dma_start3A_61 = tpu.memref_slice %arg5[%mul3A_2, %dma_start3A_60] : memref<10240x128xf32, #tpu.memory_space<hbm>> -> memref<640x128xf32, #tpu.memory_space<hbm>>
      tpu.enqueue_dma source(%dma_start3A_61 : memref<640x128xf32, #tpu.memory_space<hbm>>) target(%dma_start3A_59 : memref<640x128xf32, #tpu.memory_space<vmem_shared>>) target_semaphore(%run_scoped3A : memref<!tpu.dma_semaphore, #tpu.memory_space<semaphore_mem>>)
      %dma_wait3A_62 = arith.constant 0 : i32
      %dma_wait3A_63 = tpu.memref_slice %arg11[%mul3A_2, %dma_wait3A_62] : memref<10240x128xf32, #tpu.memory_space<vmem_shared>> -> memref<640x128xf32, #tpu.memory_space<vmem_shared>>
      %dma_wait3A_64 = arith.constant 0 : i32
      %dma_wait3A_65 = tpu.memref_slice %arg5[%mul3A_2, %dma_wait3A_64] : memref<10240x128xf32, #tpu.memory_space<hbm>> -> memref<640x128xf32, #tpu.memory_space<hbm>>
      tpu.wait_dma2 semaphore(%run_scoped3A : memref<!tpu.dma_semaphore, #tpu.memory_space<semaphore_mem>>) src(%dma_wait3A_65 : memref<640x128xf32, #tpu.memory_space<hbm>>) dst(%dma_wait3A_63 : memref<640x128xf32, #tpu.memory_space<vmem_shared>>)
      tpu.yield
    }) : () -> ()
    %barrier3A = arith.constant 0 : index
    tpu.barrier barrier_id(%barrier3A)
    %mul3A_3 = arith.constant 88 : i32
    %mul3A_4 = arith.muli %add3A, %mul3A_3 : i32
    %add3A_5 = arith.constant 0 : i32
    %add3A_6 = arith.addi %mul3A_4, %add3A_5 : i32
    "tpu.region"() ({
      %run_scoped3A = tpu.sem_alloc : memref<!tpu.dma_semaphore, #tpu.memory_space<semaphore_mem>>
      %dma_start3A_58 = arith.constant 0 : i32
      %dma_start3A_59 = tpu.memref_slice %arg3[%add3A_6, %dma_start3A_58] : memref<2816x128xi32, #tpu.memory_space<hbm>> -> memref<48x128xi32, #tpu.memory_space<hbm>>
      %dma_start3A_60 = arith.constant 0 : i32
      %dma_start3A_61 = tpu.memref_slice %arg3[%add3A_6, %dma_start3A_60] : memref<2816x128xi32, #tpu.memory_space<hbm>> -> memref<48x128xi32, #tpu.memory_space<hbm>>
      tpu.enqueue_dma source(%dma_start3A_61 : memref<48x128xi32, #tpu.memory_space<hbm>>) target(%arg7 : memref<48x128xi32, #tpu.memory_space<vmem>>) target_semaphore(%run_scoped3A : memref<!tpu.dma_semaphore, #tpu.memory_space<semaphore_mem>>)
      %dma_wait3A_62 = arith.constant 0 : i32
      %dma_wait3A_63 = tpu.memref_slice %arg3[%add3A_6, %dma_wait3A_62] : memref<2816x128xi32, #tpu.memory_space<hbm>> -> memref<48x128xi32, #tpu.memory_space<hbm>>
      %dma_wait3A_64 = arith.constant 0 : i32
      %dma_wait3A_65 = tpu.memref_slice %arg3[%add3A_6, %dma_wait3A_64] : memref<2816x128xi32, #tpu.memory_space<hbm>> -> memref<48x128xi32, #tpu.memory_space<hbm>>
      tpu.wait_dma2 semaphore(%run_scoped3A : memref<!tpu.dma_semaphore, #tpu.memory_space<semaphore_mem>>) src(%dma_wait3A_65 : memref<48x128xi32, #tpu.memory_space<hbm>>) dst(%arg7 : memref<48x128xi32, #tpu.memory_space<vmem>>)
      tpu.yield
    }) : () -> ()
    %mul3A_7 = arith.constant 80 : i32
    %mul3A_8 = arith.muli %add3A, %mul3A_7 : i32
    %add3A_9 = arith.constant 0 : i32
    %add3A_10 = arith.addi %mul3A_8, %add3A_9 : i32
    "tpu.region"() ({
      %run_scoped3A = tpu.sem_alloc : memref<!tpu.dma_semaphore, #tpu.memory_space<semaphore_mem>>
      %dma_start3A_58 = arith.constant 0 : i32
      %dma_start3A_59 = tpu.memref_slice %arg4[%add3A_10, %dma_start3A_58] : memref<2560x128xi32, #tpu.memory_space<hbm>> -> memref<40x128xi32, #tpu.memory_space<hbm>>
      %dma_start3A_60 = arith.constant 0 : i32
      %dma_start3A_61 = tpu.memref_slice %arg4[%add3A_10, %dma_start3A_60] : memref<2560x128xi32, #tpu.memory_space<hbm>> -> memref<40x128xi32, #tpu.memory_space<hbm>>
      tpu.enqueue_dma source(%dma_start3A_61 : memref<40x128xi32, #tpu.memory_space<hbm>>) target(%arg8 : memref<40x128xi32, #tpu.memory_space<vmem>>) target_semaphore(%run_scoped3A : memref<!tpu.dma_semaphore, #tpu.memory_space<semaphore_mem>>)
      %dma_wait3A_62 = arith.constant 0 : i32
      %dma_wait3A_63 = tpu.memref_slice %arg4[%add3A_10, %dma_wait3A_62] : memref<2560x128xi32, #tpu.memory_space<hbm>> -> memref<40x128xi32, #tpu.memory_space<hbm>>
      %dma_wait3A_64 = arith.constant 0 : i32
      %dma_wait3A_65 = tpu.memref_slice %arg4[%add3A_10, %dma_wait3A_64] : memref<2560x128xi32, #tpu.memory_space<hbm>> -> memref<40x128xi32, #tpu.memory_space<hbm>>
      tpu.wait_dma2 semaphore(%run_scoped3A : memref<!tpu.dma_semaphore, #tpu.memory_space<semaphore_mem>>) src(%dma_wait3A_65 : memref<40x128xi32, #tpu.memory_space<hbm>>) dst(%arg8 : memref<40x128xi32, #tpu.memory_space<vmem>>)
      tpu.yield
    }) : () -> ()
    %dma_start3A = arith.constant 0 : i32
    %dma_start3A_11 = arith.constant 0 : i32
    %dma_start3A_12 = tpu.memref_slice %arg7[%dma_start3A, %dma_start3A_11] : memref<48x128xi32, #tpu.memory_space<vmem>> -> memref<1x128xi32, #tpu.memory_space<vmem>>
    %dma_start3A_13 = tpu.memref_squeeze %dma_start3A_12 : memref<1x128xi32, #tpu.memory_space<vmem>> -> memref<128xi32, #tpu.memory_space<vmem>>
    %dma_start3A_14 = arith.constant 0 : i32
    %dma_start3A_15 = arith.constant 0 : i32
    %dma_start3A_16 = tpu.memref_slice %arg2[%dma_start3A_14, %dma_start3A_15] : memref<10000x128xf32, #tpu.memory_space<hbm>> -> memref<10000x128xf32, #tpu.memory_space<hbm>>
    tpu.enqueue_indirect_dma source(%dma_start3A_16 : memref<10000x128xf32, #tpu.memory_space<hbm>>) target(%arg9 : memref<128x128xf32, #tpu.memory_space<vmem>>) offsets(%dma_start3A_13 : memref<128xi32, #tpu.memory_space<vmem>>) semaphore(%arg12 : memref<!tpu.dma_semaphore, #tpu.memory_space<semaphore_mem>>)
    %scan3A = arith.constant 0 : i32
    %scan3A_17 = arith.constant 20 : i32
    %scan3A_18 = arith.addi %scan3A, %scan3A_17 : i32
    %scan3A_19 = arith.constant 1 : i32
    scf.for %scan3A_58 = %scan3A to %scan3A_18 step %scan3A_19  : i32 {
      %mul3A_59 = arith.constant 2 : i32
      %mul3A_60 = arith.muli %scan3A_58, %mul3A_59 : i32
      %dma_wait3A_61 = arith.constant 0 : i32
      %dma_wait3A_62 = arith.constant 0 : i32
      %dma_wait3A_63 = tpu.memref_slice %arg7[%dma_wait3A_61, %dma_wait3A_62] : memref<48x128xi32, #tpu.memory_space<vmem>> -> memref<1x128xi32, #tpu.memory_space<vmem>>
      %dma_wait3A_64 = tpu.memref_squeeze %dma_wait3A_63 : memref<1x128xi32, #tpu.memory_space<vmem>> -> memref<128xi32, #tpu.memory_space<vmem>>
      %dma_wait3A_65 = arith.constant 0 : i32
      %dma_wait3A_66 = arith.constant 0 : i32
      %dma_wait3A_67 = tpu.memref_slice %arg2[%dma_wait3A_65, %dma_wait3A_66] : memref<10000x128xf32, #tpu.memory_space<hbm>> -> memref<10000x128xf32, #tpu.memory_space<hbm>>
      tpu.wait_indirect_dma semaphore(%arg12 : memref<!tpu.dma_semaphore, #tpu.memory_space<semaphore_mem>>) src(%dma_wait3A_67 : memref<10000x128xf32, #tpu.memory_space<hbm>>) dst(%arg9 : memref<128x128xf32, #tpu.memory_space<vmem>>)
      %add3A_68 = arith.constant 1 : i32
      %add3A_69 = arith.addi %mul3A_60, %add3A_68 : i32
      %dma_start3A_70 = arith.constant 0 : i32
      %dma_start3A_71 = tpu.memref_slice %arg7[%add3A_69, %dma_start3A_70] : memref<48x128xi32, #tpu.memory_space<vmem>> -> memref<1x128xi32, #tpu.memory_space<vmem>>
      %dma_start3A_72 = tpu.memref_squeeze %dma_start3A_71 : memref<1x128xi32, #tpu.memory_space<vmem>> -> memref<128xi32, #tpu.memory_space<vmem>>
      %dma_start3A_73 = arith.constant 0 : i32
      %dma_start3A_74 = arith.constant 0 : i32
      %dma_start3A_75 = tpu.memref_slice %arg2[%dma_start3A_73, %dma_start3A_74] : memref<10000x128xf32, #tpu.memory_space<hbm>> -> memref<10000x128xf32, #tpu.memory_space<hbm>>
      tpu.enqueue_indirect_dma source(%dma_start3A_75 : memref<10000x128xf32, #tpu.memory_space<hbm>>) target(%arg10 : memref<128x128xf32, #tpu.memory_space<vmem>>) offsets(%dma_start3A_72 : memref<128xi32, #tpu.memory_space<vmem>>) semaphore(%arg12 : memref<!tpu.dma_semaphore, #tpu.memory_space<semaphore_mem>>)
      "tpu.region"() ({
        %run_scoped3A = tpu.sem_alloc : memref<!tpu.dma_semaphore, #tpu.memory_space<semaphore_mem>>
        %dma_start3A_93 = arith.constant 0 : i32
        %dma_start3A_94 = tpu.memref_slice %arg8[%mul3A_60, %dma_start3A_93] : memref<40x128xi32, #tpu.memory_space<vmem>> -> memref<1x128xi32, #tpu.memory_space<vmem>>
        %dma_start3A_95 = tpu.memref_squeeze %dma_start3A_94 : memref<1x128xi32, #tpu.memory_space<vmem>> -> memref<128xi32, #tpu.memory_space<vmem>>
        %dma_start3A_96 = arith.constant 0 : i32
        %dma_start3A_97 = arith.constant 0 : i32
        %dma_start3A_98 = tpu.memref_slice %arg11[%dma_start3A_96, %dma_start3A_97] : memref<10240x128xf32, #tpu.memory_space<vmem_shared>> -> memref<10240x128xf32, #tpu.memory_space<vmem_shared>>
        tpu.enqueue_indirect_dma source(%arg9 : memref<128x128xf32, #tpu.memory_space<vmem>>) target(%dma_start3A_98 : memref<10240x128xf32, #tpu.memory_space<vmem_shared>>) offsets(%dma_start3A_95 : memref<128xi32, #tpu.memory_space<vmem>>) semaphore(%run_scoped3A : memref<!tpu.dma_semaphore, #tpu.memory_space<semaphore_mem>>) {add = true}
        %dma_wait3A_99 = arith.constant 0 : i32
        %dma_wait3A_100 = tpu.memref_slice %arg8[%mul3A_60, %dma_wait3A_99] : memref<40x128xi32, #tpu.memory_space<vmem>> -> memref<1x128xi32, #tpu.memory_space<vmem>>
        %dma_wait3A_101 = tpu.memref_squeeze %dma_wait3A_100 : memref<1x128xi32, #tpu.memory_space<vmem>> -> memref<128xi32, #tpu.memory_space<vmem>>
        %dma_wait3A_102 = arith.constant 0 : i32
        %dma_wait3A_103 = arith.constant 0 : i32
        %dma_wait3A_104 = tpu.memref_slice %arg11[%dma_wait3A_102, %dma_wait3A_103] : memref<10240x128xf32, #tpu.memory_space<vmem_shared>> -> memref<10240x128xf32, #tpu.memory_space<vmem_shared>>
        tpu.wait_indirect_dma semaphore(%run_scoped3A : memref<!tpu.dma_semaphore, #tpu.memory_space<semaphore_mem>>) src(%arg9 : memref<128x128xf32, #tpu.memory_space<vmem>>) dst(%dma_wait3A_104 : memref<10240x128xf32, #tpu.memory_space<vmem_shared>>)
        tpu.yield
      }) : () -> ()
      %dma_wait3A_76 = arith.constant 0 : i32
      %dma_wait3A_77 = arith.constant 0 : i32
      %dma_wait3A_78 = tpu.memref_slice %arg7[%dma_wait3A_76, %dma_wait3A_77] : memref<48x128xi32, #tpu.memory_space<vmem>> -> memref<1x128xi32, #tpu.memory_space<vmem>>
      %dma_wait3A_79 = tpu.memref_squeeze %dma_wait3A_78 : memref<1x128xi32, #tpu.memory_space<vmem>> -> memref<128xi32, #tpu.memory_space<vmem>>
      %dma_wait3A_80 = arith.constant 0 : i32
      %dma_wait3A_81 = arith.constant 0 : i32
      %dma_wait3A_82 = tpu.memref_slice %arg2[%dma_wait3A_80, %dma_wait3A_81] : memref<10000x128xf32, #tpu.memory_space<hbm>> -> memref<10000x128xf32, #tpu.memory_space<hbm>>
      tpu.wait_indirect_dma semaphore(%arg12 : memref<!tpu.dma_semaphore, #tpu.memory_space<semaphore_mem>>) src(%dma_wait3A_82 : memref<10000x128xf32, #tpu.memory_space<hbm>>) dst(%arg10 : memref<128x128xf32, #tpu.memory_space<vmem>>)
      %add3A_83 = arith.constant 2 : i32
      %add3A_84 = arith.addi %mul3A_60, %add3A_83 : i32
      %dma_start3A_85 = arith.constant 0 : i32
      %dma_start3A_86 = tpu.memref_slice %arg7[%add3A_84, %dma_start3A_85] : memref<48x128xi32, #tpu.memory_space<vmem>> -> memref<1x128xi32, #tpu.memory_space<vmem>>
      %dma_start3A_87 = tpu.memref_squeeze %dma_start3A_86 : memref<1x128xi32, #tpu.memory_space<vmem>> -> memref<128xi32, #tpu.memory_space<vmem>>
      %dma_start3A_88 = arith.constant 0 : i32
      %dma_start3A_89 = arith.constant 0 : i32
      %dma_start3A_90 = tpu.memref_slice %arg2[%dma_start3A_88, %dma_start3A_89] : memref<10000x128xf32, #tpu.memory_space<hbm>> -> memref<10000x128xf32, #tpu.memory_space<hbm>>
      tpu.enqueue_indirect_dma source(%dma_start3A_90 : memref<10000x128xf32, #tpu.memory_space<hbm>>) target(%arg9 : memref<128x128xf32, #tpu.memory_space<vmem>>) offsets(%dma_start3A_87 : memref<128xi32, #tpu.memory_space<vmem>>) semaphore(%arg12 : memref<!tpu.dma_semaphore, #tpu.memory_space<semaphore_mem>>)
      %add3A_91 = arith.constant 1 : i32
      %add3A_92 = arith.addi %mul3A_60, %add3A_91 : i32
      "tpu.region"() ({
        %run_scoped3A = tpu.sem_alloc : memref<!tpu.dma_semaphore, #tpu.memory_space<semaphore_mem>>
        %dma_start3A_93 = arith.constant 0 : i32
        %dma_start3A_94 = tpu.memref_slice %arg8[%add3A_92, %dma_start3A_93] : memref<40x128xi32, #tpu.memory_space<vmem>> -> memref<1x128xi32, #tpu.memory_space<vmem>>
        %dma_start3A_95 = tpu.memref_squeeze %dma_start3A_94 : memref<1x128xi32, #tpu.memory_space<vmem>> -> memref<128xi32, #tpu.memory_space<vmem>>
        %dma_start3A_96 = arith.constant 0 : i32
        %dma_start3A_97 = arith.constant 0 : i32
        %dma_start3A_98 = tpu.memref_slice %arg11[%dma_start3A_96, %dma_start3A_97] : memref<10240x128xf32, #tpu.memory_space<vmem_shared>> -> memref<10240x128xf32, #tpu.memory_space<vmem_shared>>
        tpu.enqueue_indirect_dma source(%arg10 : memref<128x128xf32, #tpu.memory_space<vmem>>) target(%dma_start3A_98 : memref<10240x128xf32, #tpu.memory_space<vmem_shared>>) offsets(%dma_start3A_95 : memref<128xi32, #tpu.memory_space<vmem>>) semaphore(%run_scoped3A : memref<!tpu.dma_semaphore, #tpu.memory_space<semaphore_mem>>) {add = true}
        %dma_wait3A_99 = arith.constant 0 : i32
        %dma_wait3A_100 = tpu.memref_slice %arg8[%add3A_92, %dma_wait3A_99] : memref<40x128xi32, #tpu.memory_space<vmem>> -> memref<1x128xi32, #tpu.memory_space<vmem>>
        %dma_wait3A_101 = tpu.memref_squeeze %dma_wait3A_100 : memref<1x128xi32, #tpu.memory_space<vmem>> -> memref<128xi32, #tpu.memory_space<vmem>>
        %dma_wait3A_102 = arith.constant 0 : i32
        %dma_wait3A_103 = arith.constant 0 : i32
        %dma_wait3A_104 = tpu.memref_slice %arg11[%dma_wait3A_102, %dma_wait3A_103] : memref<10240x128xf32, #tpu.memory_space<vmem_shared>> -> memref<10240x128xf32, #tpu.memory_space<vmem_shared>>
        tpu.wait_indirect_dma semaphore(%run_scoped3A : memref<!tpu.dma_semaphore, #tpu.memory_space<semaphore_mem>>) src(%arg10 : memref<128x128xf32, #tpu.memory_space<vmem>>) dst(%dma_wait3A_104 : memref<10240x128xf32, #tpu.memory_space<vmem_shared>>)
        tpu.yield
      }) : () -> ()
    }
    %scan3A_20 = arith.constant 20 : i32
    %dma_wait3A = arith.constant 0 : i32
    %dma_wait3A_21 = arith.constant 0 : i32
    %dma_wait3A_22 = tpu.memref_slice %arg7[%dma_wait3A, %dma_wait3A_21] : memref<48x128xi32, #tpu.memory_space<vmem>> -> memref<1x128xi32, #tpu.memory_space<vmem>>
    %dma_wait3A_23 = tpu.memref_squeeze %dma_wait3A_22 : memref<1x128xi32, #tpu.memory_space<vmem>> -> memref<128xi32, #tpu.memory_space<vmem>>
    %dma_wait3A_24 = arith.constant 0 : i32
    %dma_wait3A_25 = arith.constant 0 : i32
    %dma_wait3A_26 = tpu.memref_slice %arg2[%dma_wait3A_24, %dma_wait3A_25] : memref<10000x128xf32, #tpu.memory_space<hbm>> -> memref<10000x128xf32, #tpu.memory_space<hbm>>
    tpu.wait_indirect_dma semaphore(%arg12 : memref<!tpu.dma_semaphore, #tpu.memory_space<semaphore_mem>>) src(%dma_wait3A_26 : memref<10000x128xf32, #tpu.memory_space<hbm>>) dst(%arg9 : memref<128x128xf32, #tpu.memory_space<vmem>>)
    %mul3A_27 = arith.constant 88 : i32
    %mul3A_28 = arith.muli %add3A, %mul3A_27 : i32
    %add3A_29 = arith.constant 40 : i32
    %add3A_30 = arith.addi %mul3A_28, %add3A_29 : i32
    "tpu.region"() ({
      %run_scoped3A = tpu.sem_alloc : memref<!tpu.dma_semaphore, #tpu.memory_space<semaphore_mem>>
      %dma_start3A_58 = arith.constant 0 : i32
      %dma_start3A_59 = tpu.memref_slice %arg3[%add3A_30, %dma_start3A_58] : memref<2816x128xi32, #tpu.memory_space<hbm>> -> memref<48x128xi32, #tpu.memory_space<hbm>>
      %dma_start3A_60 = arith.constant 0 : i32
      %dma_start3A_61 = tpu.memref_slice %arg3[%add3A_30, %dma_start3A_60] : memref<2816x128xi32, #tpu.memory_space<hbm>> -> memref<48x128xi32, #tpu.memory_space<hbm>>
      tpu.enqueue_dma source(%dma_start3A_61 : memref<48x128xi32, #tpu.memory_space<hbm>>) target(%arg7 : memref<48x128xi32, #tpu.memory_space<vmem>>) target_semaphore(%run_scoped3A : memref<!tpu.dma_semaphore, #tpu.memory_space<semaphore_mem>>)
      %dma_wait3A_62 = arith.constant 0 : i32
      %dma_wait3A_63 = tpu.memref_slice %arg3[%add3A_30, %dma_wait3A_62] : memref<2816x128xi32, #tpu.memory_space<hbm>> -> memref<48x128xi32, #tpu.memory_space<hbm>>
      %dma_wait3A_64 = arith.constant 0 : i32
      %dma_wait3A_65 = tpu.memref_slice %arg3[%add3A_30, %dma_wait3A_64] : memref<2816x128xi32, #tpu.memory_space<hbm>> -> memref<48x128xi32, #tpu.memory_space<hbm>>
      tpu.wait_dma2 semaphore(%run_scoped3A : memref<!tpu.dma_semaphore, #tpu.memory_space<semaphore_mem>>) src(%dma_wait3A_65 : memref<48x128xi32, #tpu.memory_space<hbm>>) dst(%arg7 : memref<48x128xi32, #tpu.memory_space<vmem>>)
      tpu.yield
    }) : () -> ()
    %mul3A_31 = arith.constant 80 : i32
    %mul3A_32 = arith.muli %add3A, %mul3A_31 : i32
    %add3A_33 = arith.constant 40 : i32
    %add3A_34 = arith.addi %mul3A_32, %add3A_33 : i32
    "tpu.region"() ({
      %run_scoped3A = tpu.sem_alloc : memref<!tpu.dma_semaphore, #tpu.memory_space<semaphore_mem>>
      %dma_start3A_58 = arith.constant 0 : i32
      %dma_start3A_59 = tpu.memref_slice %arg4[%add3A_34, %dma_start3A_58] : memref<2560x128xi32, #tpu.memory_space<hbm>> -> memref<40x128xi32, #tpu.memory_space<hbm>>
      %dma_start3A_60 = arith.constant 0 : i32
      %dma_start3A_61 = tpu.memref_slice %arg4[%add3A_34, %dma_start3A_60] : memref<2560x128xi32, #tpu.memory_space<hbm>> -> memref<40x128xi32, #tpu.memory_space<hbm>>
      tpu.enqueue_dma source(%dma_start3A_61 : memref<40x128xi32, #tpu.memory_space<hbm>>) target(%arg8 : memref<40x128xi32, #tpu.memory_space<vmem>>) target_semaphore(%run_scoped3A : memref<!tpu.dma_semaphore, #tpu.memory_space<semaphore_mem>>)
      %dma_wait3A_62 = arith.constant 0 : i32
      %dma_wait3A_63 = tpu.memref_slice %arg4[%add3A_34, %dma_wait3A_62] : memref<2560x128xi32, #tpu.memory_space<hbm>> -> memref<40x128xi32, #tpu.memory_space<hbm>>
      %dma_wait3A_64 = arith.constant 0 : i32
      %dma_wait3A_65 = tpu.memref_slice %arg4[%add3A_34, %dma_wait3A_64] : memref<2560x128xi32, #tpu.memory_space<hbm>> -> memref<40x128xi32, #tpu.memory_space<hbm>>
      tpu.wait_dma2 semaphore(%run_scoped3A : memref<!tpu.dma_semaphore, #tpu.memory_space<semaphore_mem>>) src(%dma_wait3A_65 : memref<40x128xi32, #tpu.memory_space<hbm>>) dst(%arg8 : memref<40x128xi32, #tpu.memory_space<vmem>>)
      tpu.yield
    }) : () -> ()
    %dma_start3A_35 = arith.constant 0 : i32
    %dma_start3A_36 = arith.constant 0 : i32
    %dma_start3A_37 = tpu.memref_slice %arg7[%dma_start3A_35, %dma_start3A_36] : memref<48x128xi32, #tpu.memory_space<vmem>> -> memref<1x128xi32, #tpu.memory_space<vmem>>
    %dma_start3A_38 = tpu.memref_squeeze %dma_start3A_37 : memref<1x128xi32, #tpu.memory_space<vmem>> -> memref<128xi32, #tpu.memory_space<vmem>>
    %dma_start3A_39 = arith.constant 0 : i32
    %dma_start3A_40 = arith.constant 0 : i32
    %dma_start3A_41 = tpu.memref_slice %arg2[%dma_start3A_39, %dma_start3A_40] : memref<10000x128xf32, #tpu.memory_space<hbm>> -> memref<10000x128xf32, #tpu.memory_space<hbm>>
    tpu.enqueue_indirect_dma source(%dma_start3A_41 : memref<10000x128xf32, #tpu.memory_space<hbm>>) target(%arg9 : memref<128x128xf32, #tpu.memory_space<vmem>>) offsets(%dma_start3A_38 : memref<128xi32, #tpu.memory_space<vmem>>) semaphore(%arg12 : memref<!tpu.dma_semaphore, #tpu.memory_space<semaphore_mem>>)
    %scan3A_42 = arith.constant 0 : i32
    %scan3A_43 = arith.constant 20 : i32
    %scan3A_44 = arith.addi %scan3A_42, %scan3A_43 : i32
    %scan3A_45 = arith.constant 1 : i32
    scf.for %scan3A_58 = %scan3A_42 to %scan3A_44 step %scan3A_45  : i32 {
      %mul3A_59 = arith.constant 2 : i32
      %mul3A_60 = arith.muli %scan3A_58, %mul3A_59 : i32
      %dma_wait3A_61 = arith.constant 0 : i32
      %dma_wait3A_62 = arith.constant 0 : i32
      %dma_wait3A_63 = tpu.memref_slice %arg7[%dma_wait3A_61, %dma_wait3A_62] : memref<48x128xi32, #tpu.memory_space<vmem>> -> memref<1x128xi32, #tpu.memory_space<vmem>>
      %dma_wait3A_64 = tpu.memref_squeeze %dma_wait3A_63 : memref<1x128xi32, #tpu.memory_space<vmem>> -> memref<128xi32, #tpu.memory_space<vmem>>
      %dma_wait3A_65 = arith.constant 0 : i32
      %dma_wait3A_66 = arith.constant 0 : i32
      %dma_wait3A_67 = tpu.memref_slice %arg2[%dma_wait3A_65, %dma_wait3A_66] : memref<10000x128xf32, #tpu.memory_space<hbm>> -> memref<10000x128xf32, #tpu.memory_space<hbm>>
      tpu.wait_indirect_dma semaphore(%arg12 : memref<!tpu.dma_semaphore, #tpu.memory_space<semaphore_mem>>) src(%dma_wait3A_67 : memref<10000x128xf32, #tpu.memory_space<hbm>>) dst(%arg9 : memref<128x128xf32, #tpu.memory_space<vmem>>)
      %add3A_68 = arith.constant 1 : i32
      %add3A_69 = arith.addi %mul3A_60, %add3A_68 : i32
      %dma_start3A_70 = arith.constant 0 : i32
      %dma_start3A_71 = tpu.memref_slice %arg7[%add3A_69, %dma_start3A_70] : memref<48x128xi32, #tpu.memory_space<vmem>> -> memref<1x128xi32, #tpu.memory_space<vmem>>
      %dma_start3A_72 = tpu.memref_squeeze %dma_start3A_71 : memref<1x128xi32, #tpu.memory_space<vmem>> -> memref<128xi32, #tpu.memory_space<vmem>>
      %dma_start3A_73 = arith.constant 0 : i32
      %dma_start3A_74 = arith.constant 0 : i32
      %dma_start3A_75 = tpu.memref_slice %arg2[%dma_start3A_73, %dma_start3A_74] : memref<10000x128xf32, #tpu.memory_space<hbm>> -> memref<10000x128xf32, #tpu.memory_space<hbm>>
      tpu.enqueue_indirect_dma source(%dma_start3A_75 : memref<10000x128xf32, #tpu.memory_space<hbm>>) target(%arg10 : memref<128x128xf32, #tpu.memory_space<vmem>>) offsets(%dma_start3A_72 : memref<128xi32, #tpu.memory_space<vmem>>) semaphore(%arg12 : memref<!tpu.dma_semaphore, #tpu.memory_space<semaphore_mem>>)
      "tpu.region"() ({
        %run_scoped3A = tpu.sem_alloc : memref<!tpu.dma_semaphore, #tpu.memory_space<semaphore_mem>>
        %dma_start3A_93 = arith.constant 0 : i32
        %dma_start3A_94 = tpu.memref_slice %arg8[%mul3A_60, %dma_start3A_93] : memref<40x128xi32, #tpu.memory_space<vmem>> -> memref<1x128xi32, #tpu.memory_space<vmem>>
        %dma_start3A_95 = tpu.memref_squeeze %dma_start3A_94 : memref<1x128xi32, #tpu.memory_space<vmem>> -> memref<128xi32, #tpu.memory_space<vmem>>
        %dma_start3A_96 = arith.constant 0 : i32
        %dma_start3A_97 = arith.constant 0 : i32
        %dma_start3A_98 = tpu.memref_slice %arg11[%dma_start3A_96, %dma_start3A_97] : memref<10240x128xf32, #tpu.memory_space<vmem_shared>> -> memref<10240x128xf32, #tpu.memory_space<vmem_shared>>
        tpu.enqueue_indirect_dma source(%arg9 : memref<128x128xf32, #tpu.memory_space<vmem>>) target(%dma_start3A_98 : memref<10240x128xf32, #tpu.memory_space<vmem_shared>>) offsets(%dma_start3A_95 : memref<128xi32, #tpu.memory_space<vmem>>) semaphore(%run_scoped3A : memref<!tpu.dma_semaphore, #tpu.memory_space<semaphore_mem>>) {add = true}
        %dma_wait3A_99 = arith.constant 0 : i32
        %dma_wait3A_100 = tpu.memref_slice %arg8[%mul3A_60, %dma_wait3A_99] : memref<40x128xi32, #tpu.memory_space<vmem>> -> memref<1x128xi32, #tpu.memory_space<vmem>>
        %dma_wait3A_101 = tpu.memref_squeeze %dma_wait3A_100 : memref<1x128xi32, #tpu.memory_space<vmem>> -> memref<128xi32, #tpu.memory_space<vmem>>
        %dma_wait3A_102 = arith.constant 0 : i32
        %dma_wait3A_103 = arith.constant 0 : i32
        %dma_wait3A_104 = tpu.memref_slice %arg11[%dma_wait3A_102, %dma_wait3A_103] : memref<10240x128xf32, #tpu.memory_space<vmem_shared>> -> memref<10240x128xf32, #tpu.memory_space<vmem_shared>>
        tpu.wait_indirect_dma semaphore(%run_scoped3A : memref<!tpu.dma_semaphore, #tpu.memory_space<semaphore_mem>>) src(%arg9 : memref<128x128xf32, #tpu.memory_space<vmem>>) dst(%dma_wait3A_104 : memref<10240x128xf32, #tpu.memory_space<vmem_shared>>)
        tpu.yield
      }) : () -> ()
      %dma_wait3A_76 = arith.constant 0 : i32
      %dma_wait3A_77 = arith.constant 0 : i32
      %dma_wait3A_78 = tpu.memref_slice %arg7[%dma_wait3A_76, %dma_wait3A_77] : memref<48x128xi32, #tpu.memory_space<vmem>> -> memref<1x128xi32, #tpu.memory_space<vmem>>
      %dma_wait3A_79 = tpu.memref_squeeze %dma_wait3A_78 : memref<1x128xi32, #tpu.memory_space<vmem>> -> memref<128xi32, #tpu.memory_space<vmem>>
      %dma_wait3A_80 = arith.constant 0 : i32
      %dma_wait3A_81 = arith.constant 0 : i32
      %dma_wait3A_82 = tpu.memref_slice %arg2[%dma_wait3A_80, %dma_wait3A_81] : memref<10000x128xf32, #tpu.memory_space<hbm>> -> memref<10000x128xf32, #tpu.memory_space<hbm>>
      tpu.wait_indirect_dma semaphore(%arg12 : memref<!tpu.dma_semaphore, #tpu.memory_space<semaphore_mem>>) src(%dma_wait3A_82 : memref<10000x128xf32, #tpu.memory_space<hbm>>) dst(%arg10 : memref<128x128xf32, #tpu.memory_space<vmem>>)
      %add3A_83 = arith.constant 2 : i32
      %add3A_84 = arith.addi %mul3A_60, %add3A_83 : i32
      %dma_start3A_85 = arith.constant 0 : i32
      %dma_start3A_86 = tpu.memref_slice %arg7[%add3A_84, %dma_start3A_85] : memref<48x128xi32, #tpu.memory_space<vmem>> -> memref<1x128xi32, #tpu.memory_space<vmem>>
      %dma_start3A_87 = tpu.memref_squeeze %dma_start3A_86 : memref<1x128xi32, #tpu.memory_space<vmem>> -> memref<128xi32, #tpu.memory_space<vmem>>
      %dma_start3A_88 = arith.constant 0 : i32
      %dma_start3A_89 = arith.constant 0 : i32
      %dma_start3A_90 = tpu.memref_slice %arg2[%dma_start3A_88, %dma_start3A_89] : memref<10000x128xf32, #tpu.memory_space<hbm>> -> memref<10000x128xf32, #tpu.memory_space<hbm>>
      tpu.enqueue_indirect_dma source(%dma_start3A_90 : memref<10000x128xf32, #tpu.memory_space<hbm>>) target(%arg9 : memref<128x128xf32, #tpu.memory_space<vmem>>) offsets(%dma_start3A_87 : memref<128xi32, #tpu.memory_space<vmem>>) semaphore(%arg12 : memref<!tpu.dma_semaphore, #tpu.memory_space<semaphore_mem>>)
      %add3A_91 = arith.constant 1 : i32
      %add3A_92 = arith.addi %mul3A_60, %add3A_91 : i32
      "tpu.region"() ({
        %run_scoped3A = tpu.sem_alloc : memref<!tpu.dma_semaphore, #tpu.memory_space<semaphore_mem>>
        %dma_start3A_93 = arith.constant 0 : i32
        %dma_start3A_94 = tpu.memref_slice %arg8[%add3A_92, %dma_start3A_93] : memref<40x128xi32, #tpu.memory_space<vmem>> -> memref<1x128xi32, #tpu.memory_space<vmem>>
        %dma_start3A_95 = tpu.memref_squeeze %dma_start3A_94 : memref<1x128xi32, #tpu.memory_space<vmem>> -> memref<128xi32, #tpu.memory_space<vmem>>
        %dma_start3A_96 = arith.constant 0 : i32
        %dma_start3A_97 = arith.constant 0 : i32
        %dma_start3A_98 = tpu.memref_slice %arg11[%dma_start3A_96, %dma_start3A_97] : memref<10240x128xf32, #tpu.memory_space<vmem_shared>> -> memref<10240x128xf32, #tpu.memory_space<vmem_shared>>
        tpu.enqueue_indirect_dma source(%arg10 : memref<128x128xf32, #tpu.memory_space<vmem>>) target(%dma_start3A_98 : memref<10240x128xf32, #tpu.memory_space<vmem_shared>>) offsets(%dma_start3A_95 : memref<128xi32, #tpu.memory_space<vmem>>) semaphore(%run_scoped3A : memref<!tpu.dma_semaphore, #tpu.memory_space<semaphore_mem>>) {add = true}
        %dma_wait3A_99 = arith.constant 0 : i32
        %dma_wait3A_100 = tpu.memref_slice %arg8[%add3A_92, %dma_wait3A_99] : memref<40x128xi32, #tpu.memory_space<vmem>> -> memref<1x128xi32, #tpu.memory_space<vmem>>
        %dma_wait3A_101 = tpu.memref_squeeze %dma_wait3A_100 : memref<1x128xi32, #tpu.memory_space<vmem>> -> memref<128xi32, #tpu.memory_space<vmem>>
        %dma_wait3A_102 = arith.constant 0 : i32
        %dma_wait3A_103 = arith.constant 0 : i32
        %dma_wait3A_104 = tpu.memref_slice %arg11[%dma_wait3A_102, %dma_wait3A_103] : memref<10240x128xf32, #tpu.memory_space<vmem_shared>> -> memref<10240x128xf32, #tpu.memory_space<vmem_shared>>
        tpu.wait_indirect_dma semaphore(%run_scoped3A : memref<!tpu.dma_semaphore, #tpu.memory_space<semaphore_mem>>) src(%arg10 : memref<128x128xf32, #tpu.memory_space<vmem>>) dst(%dma_wait3A_104 : memref<10240x128xf32, #tpu.memory_space<vmem_shared>>)
        tpu.yield
      }) : () -> ()
    }
    %scan3A_46 = arith.constant 20 : i32
    %dma_wait3A_47 = arith.constant 0 : i32
    %dma_wait3A_48 = arith.constant 0 : i32
    %dma_wait3A_49 = tpu.memref_slice %arg7[%dma_wait3A_47, %dma_wait3A_48] : memref<48x128xi32, #tpu.memory_space<vmem>> -> memref<1x128xi32, #tpu.memory_space<vmem>>
    %dma_wait3A_50 = tpu.memref_squeeze %dma_wait3A_49 : memref<1x128xi32, #tpu.memory_space<vmem>> -> memref<128xi32, #tpu.memory_space<vmem>>
    %dma_wait3A_51 = arith.constant 0 : i32
    %dma_wait3A_52 = arith.constant 0 : i32
    %dma_wait3A_53 = tpu.memref_slice %arg2[%dma_wait3A_51, %dma_wait3A_52] : memref<10000x128xf32, #tpu.memory_space<hbm>> -> memref<10000x128xf32, #tpu.memory_space<hbm>>
    tpu.wait_indirect_dma semaphore(%arg12 : memref<!tpu.dma_semaphore, #tpu.memory_space<semaphore_mem>>) src(%dma_wait3A_53 : memref<10000x128xf32, #tpu.memory_space<hbm>>) dst(%arg9 : memref<128x128xf32, #tpu.memory_space<vmem>>)
    %barrier3A_54 = arith.constant 0 : index
    tpu.barrier barrier_id(%barrier3A_54)
    %mul3A_55 = arith.constant 10240 : i32
    %mul3A_56 = arith.muli %arg0, %mul3A_55 : i32
    %add3A_57 = arith.addi %mul3A_56, %mul3A_2 : i32
    "tpu.region"() ({
      %run_scoped3A = tpu.sem_alloc : memref<!tpu.dma_semaphore, #tpu.memory_space<semaphore_mem>>
      %dma_start3A_58 = arith.constant 0 : i32
      %dma_start3A_59 = tpu.memref_slice %arg6[%add3A_57, %dma_start3A_58] : memref<20480x128xf32, #tpu.memory_space<hbm>> -> memref<640x128xf32, #tpu.memory_space<hbm>>
      %dma_start3A_60 = arith.constant 0 : i32
      %dma_start3A_61 = tpu.memref_slice %arg11[%mul3A_2, %dma_start3A_60] : memref<10240x128xf32, #tpu.memory_space<vmem_shared>> -> memref<640x128xf32, #tpu.memory_space<vmem_shared>>
      tpu.enqueue_dma source(%dma_start3A_61 : memref<640x128xf32, #tpu.memory_space<vmem_shared>>) target(%dma_start3A_59 : memref<640x128xf32, #tpu.memory_space<hbm>>) target_semaphore(%run_scoped3A : memref<!tpu.dma_semaphore, #tpu.memory_space<semaphore_mem>>)
      %dma_wait3A_62 = arith.constant 0 : i32
      %dma_wait3A_63 = tpu.memref_slice %arg6[%add3A_57, %dma_wait3A_62] : memref<20480x128xf32, #tpu.memory_space<hbm>> -> memref<640x128xf32, #tpu.memory_space<hbm>>
      %dma_wait3A_64 = arith.constant 0 : i32
      %dma_wait3A_65 = tpu.memref_slice %arg11[%mul3A_2, %dma_wait3A_64] : memref<10240x128xf32, #tpu.memory_space<vmem_shared>> -> memref<640x128xf32, #tpu.memory_space<vmem_shared>>
      tpu.wait_dma2 semaphore(%run_scoped3A : memref<!tpu.dma_semaphore, #tpu.memory_space<semaphore_mem>>) src(%dma_wait3A_65 : memref<640x128xf32, #tpu.memory_space<vmem_shared>>) dst(%dma_wait3A_63 : memref<640x128xf32, #tpu.memory_space<hbm>>)
      tpu.yield
    }) : () -> ()
    return
  }
}

module attributes {stable_mosaic.version = 14 : i64} {
  func.func @_stage_a_body(%arg0: memref<10000x128xf32, #tpu.memory_space<vmem>>, %arg1: memref<128x128xf32, #tpu.memory_space<vmem>>, %arg2: memref<20480x1xf32, #tpu.memory_space<vmem>>, %arg3: memref<10000x128xf32, #tpu.memory_space<vmem>>, %arg4: memref<10000x1xf32, #tpu.memory_space<vmem>>) attributes {dimension_semantics = [], scalar_prefetch = 0 : i64, scratch_operands = 0 : i64, tpu.core_type = #tpu.core_type<tc>} {
    %get3A = arith.constant 0 : index
    %get3A_0 = arith.constant 0 : index
    %get3A_1 = vector.load %arg2[%get3A, %get3A_0] : memref<20480x1xf32, #tpu.memory_space<vmem>>, vector<20480x1xf32>
    %slice3A = vector.extract_strided_slice %get3A_1 {offsets = [0, 0], sizes = [10000, 1], strides = [1, 1]} : vector<20480x1xf32> to vector<10000x1xf32>
    %slice3A_2 = vector.extract_strided_slice %get3A_1 {offsets = [10240, 0], sizes = [10000, 1], strides = [1, 1]} : vector<20480x1xf32> to vector<10000x1xf32>
    %add3A = arith.addf %slice3A, %slice3A_2 : vector<10000x1xf32>
    %add3A_3 = arith.constant 1.000000e+00 : f32
    %add3A_4 = vector.broadcast %add3A_3 : f32 to vector<10000x1xf32>
    %add3A_5 = arith.addf %add3A, %add3A_4 : vector<10000x1xf32>
    %rsqrt3A = math.rsqrt %add3A_5 : vector<10000x1xf32>
    %get3A_6 = arith.constant 0 : index
    %get3A_7 = arith.constant 0 : index
    %get3A_8 = vector.load %arg0[%get3A_6, %get3A_7] : memref<10000x128xf32, #tpu.memory_space<vmem>>, vector<10000x128xf32>
    %get3A_9 = arith.constant 0 : index
    %get3A_10 = arith.constant 0 : index
    %get3A_11 = vector.load %arg1[%get3A_9, %get3A_10] : memref<128x128xf32, #tpu.memory_space<vmem>>, vector<128x128xf32>
    %dot_general3A = arith.constant dense<0.000000e+00> : vector<10000x128xf32>
    %dot_general3A_12 = tpu.matmul %get3A_8, %get3A_11, %dot_general3A {dimension_numbers = #tpu.dot_dimension_numbers<[1], [0], [0], [1], [0, 0, 1, 1], [], []>, transpose_lhs_hint = false} : vector<10000x128xf32>, vector<128x128xf32>, vector<10000x128xf32> -> vector<10000x128xf32>
    %mul3A = vector.broadcast %rsqrt3A : vector<10000x1xf32> to vector<10000x128xf32>
    %mul3A_13 = arith.mulf %dot_general3A_12, %mul3A : vector<10000x128xf32>
    %swap3A = arith.constant 0 : index
    %swap3A_14 = arith.constant 0 : index
    %swap3A_15 = vector.load %arg3[%swap3A, %swap3A_14] : memref<10000x128xf32, #tpu.memory_space<vmem>>, vector<10000x128xf32>
    tpu.vector_store %arg3[%swap3A, %swap3A_14], %mul3A_13 {strides = array<i32>} : memref<10000x128xf32, #tpu.memory_space<vmem>>, vector<10000x128xf32>,
    %swap3A_16 = arith.constant 0 : index
    %swap3A_17 = arith.constant 0 : index
    %swap3A_18 = vector.load %arg4[%swap3A_16, %swap3A_17] : memref<10000x1xf32, #tpu.memory_space<vmem>>, vector<10000x1xf32>
    tpu.vector_store %arg4[%swap3A_16, %swap3A_17], %rsqrt3A {strides = array<i32>} : memref<10000x1xf32, #tpu.memory_space<vmem>>, vector<10000x1xf32>,
    return
  }
}

module attributes {stable_mosaic.version = 14 : i64} {
  func.func @_stage_b_body(%arg0: memref<20480x128xf32, #tpu.memory_space<vmem>>, %arg1: memref<10000x128xf32, #tpu.memory_space<vmem>>, %arg2: memref<10000x1xf32, #tpu.memory_space<vmem>>, %arg3: memref<1x128xf32, #tpu.memory_space<vmem>>, %arg4: memref<128x128xf32, #tpu.memory_space<vmem>>, %arg5: memref<10000x128xf32, #tpu.memory_space<vmem>>) attributes {dimension_semantics = [], scalar_prefetch = 0 : i64, scratch_operands = 0 : i64, tpu.core_type = #tpu.core_type<tc>} {
    %get3A = arith.constant 0 : index
    %get3A_0 = arith.constant 0 : index
    %get3A_1 = vector.load %arg0[%get3A, %get3A_0] : memref<20480x128xf32, #tpu.memory_space<vmem>>, vector<20480x128xf32>
    %get3A_2 = arith.constant 0 : index
    %get3A_3 = arith.constant 0 : index
    %get3A_4 = vector.load %arg1[%get3A_2, %get3A_3] : memref<10000x128xf32, #tpu.memory_space<vmem>>, vector<10000x128xf32>
    %get3A_5 = arith.constant 0 : index
    %get3A_6 = arith.constant 0 : index
    %get3A_7 = vector.load %arg2[%get3A_5, %get3A_6] : memref<10000x1xf32, #tpu.memory_space<vmem>>, vector<10000x1xf32>
    %slice3A = vector.extract_strided_slice %get3A_1 {offsets = [0, 0], sizes = [10000, 128], strides = [1, 1]} : vector<20480x128xf32> to vector<10000x128xf32>
    %slice3A_8 = vector.extract_strided_slice %get3A_1 {offsets = [10240, 0], sizes = [10000, 128], strides = [1, 1]} : vector<20480x128xf32> to vector<10000x128xf32>
    %add3A = arith.addf %slice3A, %slice3A_8 : vector<10000x128xf32>
    %add3A_9 = arith.addf %add3A, %get3A_4 : vector<10000x128xf32>
    %mul3A = vector.broadcast %get3A_7 : vector<10000x1xf32> to vector<10000x128xf32>
    %mul3A_10 = arith.mulf %add3A_9, %mul3A : vector<10000x128xf32>
    %get3A_11 = arith.constant 0 : index
    %get3A_12 = arith.constant 0 : index
    %get3A_13 = vector.load %arg3[%get3A_11, %get3A_12] : memref<1x128xf32, #tpu.memory_space<vmem>>, vector<1x128xf32>
    %add3A_14 = vector.broadcast %get3A_13 : vector<1x128xf32> to vector<10000x128xf32>
    %add3A_15 = arith.addf %mul3A_10, %add3A_14 : vector<10000x128xf32>
    %tanh3A = math.tanh %add3A_15 : vector<10000x128xf32>
    %get3A_16 = arith.constant 0 : index
    %get3A_17 = arith.constant 0 : index
    %get3A_18 = vector.load %arg4[%get3A_16, %get3A_17] : memref<128x128xf32, #tpu.memory_space<vmem>>, vector<128x128xf32>
    %dot_general3A = arith.constant dense<0.000000e+00> : vector<10000x128xf32>
    %dot_general3A_19 = tpu.matmul %tanh3A, %get3A_18, %dot_general3A {dimension_numbers = #tpu.dot_dimension_numbers<[1], [0], [0], [1], [0, 0, 1, 1], [], []>, transpose_lhs_hint = false} : vector<10000x128xf32>, vector<128x128xf32>, vector<10000x128xf32> -> vector<10000x128xf32>
    %mul3A_20 = vector.broadcast %get3A_7 : vector<10000x1xf32> to vector<10000x128xf32>
    %mul3A_21 = arith.mulf %dot_general3A_19, %mul3A_20 : vector<10000x128xf32>
    %swap3A = arith.constant 0 : index
    %swap3A_22 = arith.constant 0 : index
    %swap3A_23 = vector.load %arg5[%swap3A, %swap3A_22] : memref<10000x128xf32, #tpu.memory_space<vmem>>, vector<10000x128xf32>
    tpu.vector_store %arg5[%swap3A, %swap3A_22], %mul3A_21 {strides = array<i32>} : memref<10000x128xf32, #tpu.memory_space<vmem>>, vector<10000x128xf32>,
    return
  }
}

module attributes {stable_mosaic.version = 14 : i64} {
  func.func @_stage_c_body(%arg0: memref<20480x128xf32, #tpu.memory_space<vmem>>, %arg1: memref<10000x128xf32, #tpu.memory_space<vmem>>, %arg2: memref<10000x1xf32, #tpu.memory_space<vmem>>, %arg3: memref<1x128xf32, #tpu.memory_space<vmem>>, %arg4: memref<10000x128xf32, #tpu.memory_space<vmem>>) attributes {dimension_semantics = [], scalar_prefetch = 0 : i64, scratch_operands = 0 : i64, tpu.core_type = #tpu.core_type<tc>} {
    %get3A = arith.constant 0 : index
    %get3A_0 = arith.constant 0 : index
    %get3A_1 = vector.load %arg0[%get3A, %get3A_0] : memref<20480x128xf32, #tpu.memory_space<vmem>>, vector<20480x128xf32>
    %slice3A = vector.extract_strided_slice %get3A_1 {offsets = [0, 0], sizes = [10000, 128], strides = [1, 1]} : vector<20480x128xf32> to vector<10000x128xf32>
    %slice3A_2 = vector.extract_strided_slice %get3A_1 {offsets = [10240, 0], sizes = [10000, 128], strides = [1, 1]} : vector<20480x128xf32> to vector<10000x128xf32>
    %add3A = arith.addf %slice3A, %slice3A_2 : vector<10000x128xf32>
    %get3A_3 = arith.constant 0 : index
    %get3A_4 = arith.constant 0 : index
    %get3A_5 = vector.load %arg1[%get3A_3, %get3A_4] : memref<10000x128xf32, #tpu.memory_space<vmem>>, vector<10000x128xf32>
    %add3A_6 = arith.addf %add3A, %get3A_5 : vector<10000x128xf32>
    %get3A_7 = arith.constant 0 : index
    %get3A_8 = arith.constant 0 : index
    %get3A_9 = vector.load %arg2[%get3A_7, %get3A_8] : memref<10000x1xf32, #tpu.memory_space<vmem>>, vector<10000x1xf32>
    %mul3A = vector.broadcast %get3A_9 : vector<10000x1xf32> to vector<10000x128xf32>
    %mul3A_10 = arith.mulf %add3A_6, %mul3A : vector<10000x128xf32>
    %get3A_11 = arith.constant 0 : index
    %get3A_12 = arith.constant 0 : index
    %get3A_13 = vector.load %arg3[%get3A_11, %get3A_12] : memref<1x128xf32, #tpu.memory_space<vmem>>, vector<1x128xf32>
    %add3A_14 = vector.broadcast %get3A_13 : vector<1x128xf32> to vector<10000x128xf32>
    %add3A_15 = arith.addf %mul3A_10, %add3A_14 : vector<10000x128xf32>
    %swap3A = arith.constant 0 : index
    %swap3A_16 = arith.constant 0 : index
    %swap3A_17 = vector.load %arg4[%swap3A, %swap3A_16] : memref<10000x128xf32, #tpu.memory_space<vmem>>, vector<10000x128xf32>
    tpu.vector_store %arg4[%swap3A, %swap3A_16], %add3A_15 {strides = array<i32>} : memref<10000x128xf32, #tpu.memory_space<vmem>>, vector<10000x128xf32>,
    return
  }
}

</mosaic_0001>

<sc_bundles>
// kernel: kernel.11.cloned.1.call-start
scs
__scs_entry_jumppad:
0x0: {  	(pc) =	sbr.rel $0x88, $3  }
0x1: {  	(tag) =	ssettag $0x0;
	lr =	simm.s32 $0x1  }
0x2: {  	[smem:$0x3F9B] =	sst lr;
	_ =	strace $0xD0000000  }
0x3: {  	_ = 	snop  }
0x4: {  	_ = 	snop  }
0x5: {  	_ = 	snop  }
0x6: {  	_ = 	snop  }
0x7: {  	_ = 	snop  }
__scs_overlays_trampoline_lowered:
0x8: {  	[smem:$0x3FAA] =	sst s0  }
0x9: {  	[smem:$0x3FAB] =	sst s1  }
0xa: {  	[smem:$0x3FAC] =	sst s2  }
0xb: {  	[smem:$0x3FAD] =	sst s3  }
0xc: {  	[smem:$0x3FAE] =	sst s4  }
0xd: {  	[smem:$0x3FAF] =	sst s5  }
0xe: {  	[smem:$0x3FB0] =	sst s6  }
0xf: {  	[smem:$0x3FB1] =	sst s7  }
0x10: {  	[smem:$0x3FB2] =	sst s8  }
0x11: {  	[smem:$0x3FB3] =	sst s9;
	s0 =	simm.s32 @!p0 $0x0  }
0x12: {  	s1 =	sld [smem:$0x3F99];
	s0 =	simm.s32 @p0 $0x1  }
0x13: {  	[smem:$0x3FB4] =	sst s0;
	s0 =	simm.s32 @!p1 $0x0  }
0x14: {  	s2 =	sld [smem:$0x3F98];
	s0 =	simm.s32 @p1 $0x1  }
0x15: {  	[smem:$0x3FB5] =	sst s0;
	s0 =	simm.s32 @!p2 $0x0  }
0x16: {  	s3 =	sld [smem:$0x3FDB];
	s0 =	simm.s32 @p2 $0x1  }
0x17: {  	s4 =	simm.s32 $0x1BF5;
	[smem:$0x3FB7] =	sst s0  }
0x18: {  	s0 =	sld [smem:$0x3F9A];
	_ =	swait.ge [sflag:s4], $0x0  }
0x19: {  	s7 =	sld [smem:$0x3F9B]  }
0x1a: {  	s8 =	sadd.s32 $0xFFFFE003, lr  }
0x1b: {  	s9 =	sadd.s32 $0xFFFFFEF7, lr;
	s5 =	simm.s32 $0xFFFFFFFF;
	p2 =	slt.u32 s8, $0xFFFFF086  }
0x1c: {  	p1 =	slt.u32 s9, $0xF7A;
	s5 =	simm.s32 @!p2 $0x0  }
0x1d: {  	s5 =	simm.s32 @p1 $0x1;
	p0 =	seq.s32 s7, s2  }
0x1e: {  	s7 =	smul.u32 @!p0 $0xF7A, s2;
	p2 =	seq.s32 @!p0 s5, $0x0  }
0x1f: {  	s9 =	smul.u32 $0xF7A, s1;
	s8 =	simm.s32 @!p0 $0x1BF5;
	p2 =	por !p2, p0  }
0x20: {  	[sflag:s8] =	ssyncset.s32 @!p0 $0xFFFFF086;
	s6 =	sadd.s32 @!p0 s3, s7;
	s7 =	simm.s32 @!p0 $0x108  }
0x21: {  	s3 =	sadd.s32 s3, s9;
	s6 =	sadd.s32 @!p0 $0x88, s6;
	s7 =	simm.s32 @p2 $0x1082  }
0x22: {  	[simem:s7], [sflag:s8] =	dma.local @!p0 [hbm:s6], $0xF7A  }
0x23: {  	s9 =	sor.u32 $0xD0000000, s2;
	s6 =	simm.s32 $0x108;
	_ =	swait.ge @!p0 [sflag:s8], $0x0  }
0x24: {  	s3 =	sadd.s32 $0x88, s3;
	s6 =	simm.s32 @!p1 $0x1082;
	[sflag:s4] =	ssyncset.s32 $0xFFFFF086  }
0x25: {  	[simem:s6], [sflag:s4] =	dma.local [hbm:s3], $0xF7A  }
0x26: {  	[smem:$0x3F9B] =	sst s1;
	(tag) =	ssettag s2;
	_ =	strace s9  }
0x27: {  	s1 =	sld [smem:$0x3FAB]  }
0x28: {  	s2 =	sld [smem:$0x3FAC]  }
0x29: {  	s4 =	sld [smem:$0x3FAE]  }
0x2a: {  	p0 =	seq.s32 s5, $0x0;
	s5 =	sld [smem:$0x3FAF]  }
0x2b: {  	s6 =	sld [smem:$0x3FB0]  }
0x2c: {  	s7 =	sld [smem:$0x3FB1]  }
0x2d: {  	s3 =	simm.s32 $0x108;
	s8 =	sld [smem:$0x3FB2]  }
0x2e: {  	s3 =	simm.s32 @!p0 $0x1082;
	s9 =	sld [smem:$0x3FB3]  }
0x2f: {  	lr =	sadd.s32 s0, s3;
	s0 =	sld [smem:$0x3FAA]  }
0x30: {  	s3 =	sld [smem:$0x3FAD]  }
0x31: {  	[smem:$0x3FB6] =	sst s10  }
0x32: {  	s10 =	sld [smem:$0x3FB4];
	_ =	sdelay $0x3  }
0x33: {  	p0 =	seq.s32 s10, $0x1;
	s10 =	sld [smem:$0x3FB6];
	_ =	sdelay $0x3  }
0x34: {  	[smem:$0x3FB6] =	sst s10  }
0x35: {  	s10 =	sld [smem:$0x3FB5];
	_ =	sdelay $0x3  }
0x36: {  	p1 =	seq.s32 s10, $0x1;
	s10 =	sld [smem:$0x3FB6];
	_ =	sdelay $0x3  }
0x37: {  	[smem:$0x3FB6] =	sst s10  }
0x38: {  	s10 =	sld [smem:$0x3FB7]  }
0x39: {  	_ = 	snop;
	(pc) =	sbr.ind lr, $3  }
0x3a: {  	_ = 	snop  }
0x3b: {  	_ = 	snop  }
0x3c: {  	p2 =	seq.s32 s10, $0x1;
	s10 =	sld [smem:$0x3FB6]  }
0x3d: {  	_ =	shalt  }
0x3e: {  	_ =	shalt  }
0x3f: {  	_ =	shalt  }
0x40: {  	_ =	shalt  }
0x41: {  	_ =	shalt  }
0x42: {  	_ =	shalt  }
0x43: {  	_ =	shalt  }
0x44: {  	_ =	shalt  }
0x45: {  	_ =	shalt  }
0x46: {  	_ =	shalt  }
0x47: {  	_ =	shalt  }
0x48: {  	_ =	shalt  }
0x49: {  	_ =	shalt  }
0x4a: {  	_ =	shalt  }
0x4b: {  	_ =	shalt  }
0x4c: {  	_ =	shalt  }
0x4d: {  	_ =	shalt  }
0x4e: {  	_ =	shalt  }
0x4f: {  	_ =	shalt  }
0x50: {  	_ =	shalt  }
0x51: {  	_ =	shalt  }
0x52: {  	_ =	shalt  }
0x53: {  	_ =	shalt  }
0x54: {  	_ =	shalt  }
0x55: {  	_ =	shalt  }
0x56: {  	_ =	shalt  }
0x57: {  	_ =	shalt  }
0x58: {  	_ =	shalt  }
0x59: {  	_ =	shalt  }
0x5a: {  	_ =	shalt  }
0x5b: {  	_ =	shalt  }
0x5c: {  	_ =	shalt  }
0x5d: {  	_ =	shalt  }
0x5e: {  	_ =	shalt  }
0x5f: {  	_ =	shalt  }
0x60: {  	_ =	shalt  }
0x61: {  	_ =	shalt  }
0x62: {  	_ =	shalt  }
0x63: {  	_ =	shalt  }
0x64: {  	_ =	shalt  }
0x65: {  	_ =	shalt  }
0x66: {  	_ =	shalt  }
0x67: {  	_ =	shalt  }
0x68: {  	_ =	shalt  }
0x69: {  	_ =	shalt  }
0x6a: {  	_ =	shalt  }
0x6b: {  	_ =	shalt  }
0x6c: {  	_ =	shalt  }
0x6d: {  	_ =	shalt  }
0x6e: {  	_ =	shalt  }
0x6f: {  	_ =	shalt  }
0x70: {  	_ =	shalt  }
0x71: {  	_ =	shalt  }
0x72: {  	_ =	shalt  }
0x73: {  	_ =	shalt  }
0x74: {  	_ =	shalt  }
0x75: {  	_ =	shalt  }
0x76: {  	_ =	shalt  }
0x77: {  	_ =	shalt  }
0x78: {  	_ =	shalt  }
0x79: {  	_ =	shalt  }
0x7a: {  	_ =	shalt  }
0x7b: {  	_ =	shalt  }
0x7c: {  	_ =	shalt  }
0x7d: {  	_ =	shalt  }
0x7e: {  	_ =	shalt  }
0x7f: {  	_ =	shalt  }
0x80: {  	_ =	shalt  }
0x81: {  	_ =	shalt  }
0x82: {  	_ =	shalt  }
0x83: {  	_ =	shalt  }
0x84: {  	_ =	shalt  }
0x85: {  	_ =	shalt  }
0x86: {  	_ =	shalt  }
0x87: {  	_ =	shalt  }
.Lfunc_end0:
.L_simem_size_0:
called_computation.1_lowered:
.L_overlay_start_0:
0x88: {  	s2 =	sld [smem:$0x3FD9]  }
0x89: {  	s3 =	sld [smem:$0x3FFE];
	_ =	sdelay $0x1  }
0x8a: {  	s1 =	srdreg.scid  }
0x8b: {  	s0 =	sand.u32 $0x1, s1  }
0x8c: {  	s17 =	sshll.u32 s0, $0xA;
	s2 =	sadd.s32 s3, s2  }
0x8d: {  	s2 =	sadd.s32 s2, s17  }
0x8e: {  	[smem:$0x3FC2] =	sst s2  }
0x8f: {  	_ = 	snop  }
0x90: {  	s2 =	sld [smem:$0x3FD0];
	(tm) =	ssettm $0x1  }
0x91: {  	s18 =	sld [smem:$0x3FFB];
	_ =	sdelay $0x3  }
0x92: {  	_ =	strace s18  }
0x93: {  	s3 =	sld [smem:$0x3FFC];
	_ =	sdelay $0x3  }
0x94: {  	_ =	strace s3  }
0x95: {  	s3 =	sld [smem:$0x3FFD];
	_ =	sdelay $0x3  }
0x96: {  	_ =	strace s3  }
0x97: {  	_ =	strace $0x8FFFFFFF  }
0x98: {  	s19 =	sld [smem:$0x3FDB];
	_ =	sdelay $0x1  }
0x99: {  	s4 =	simm.s32 $_scs_section_size  }
0x9a: {  	s5 =	simm.s32 $_size__tile_overlayer_lowered;
	s6 =	simm.s32 $_tile_overlayer_lowered  }
0x9b: {  	s22 =	simm.s32 $0x1BFF;
	s21 =	sshll.u32 s6, $0x1;
	s3 =	sadd.s32 s4, s19  }
0x9c: {  	s7 =	simm.s32 $0x0;
	s20 =	sshll.u32 s5, $0x1;
	s5 =	sadd.s32 s21, s3  }
0x9d: {  	[timem:s7], [sflag:s22] =	dma.local [hbm:s5], s20  }
0x9e: {  	_ =	swait.ge [sflag:s22], s20  }
0x9f: {  	s4 =	ssub.s32 $0x0, s20;
	[sflag:s22] =	ssyncset.done $0x0  }
0xa0: {  	[sflag:s22] =	ssyncadd.s32 s4;
	_ =	sdelay $0x1  }
0xa1: {  	s23 =	simm.s32 $0x1B8B  }
0xa2: {  	_ =	swait.ge [sflag:s23], $0x1  }
0xa3: {  	[sflag:s23] =	ssyncset.done $0x0  }
0xa4: {  	s25 =	simm.s32 $0x1B8E;
	s24 =	sld [smem:$0x3FFE];
	[sflag:s23] =	ssyncadd.s32 $0xFFFFFFFF  }
0xa5: {  	s26 =	simm.s32 $execute0_lowered;
	[smem:$0x3FD2] =	sst s25  }
0xa6: {  	s5 =	sshll.u32 s26, $0x1;
	_ =	strace $0x80000049;
	[dreg:$0x1] =	wrdreg $0xFFFFFFFF  }
0xa7: {  	s28 =	simm.s32 $_size_execute0_lowered;
	s3 =	sadd.s32 s3, s5;
	[dreg:$0x0] =	wrdreg $0x0  }
0xa8: {  	s5 =	sshll.u32 s28, $0x1;
	[dreg:$0x2] =	wrdreg s3  }
0xa9: {  	[dreg:$0x3] =	wrdreg s5  }
0xaa: {  	[dreg:$0x4] =	wrdreg $0xC0  }
0xab: {  	_ =	task [dreg:s7], $0x5FFFF  }
0xac: {  	[dreg:$0x1] =	wrdreg $0xFFFFFFFF  }
0xad: {  	[dreg:$0x0] =	wrdreg $0x60  }
0xae: {  	[dreg:$0x2] =	wrdreg s2  }
0xaf: {  	[dreg:$0x3] =	wrdreg s24  }
0xb0: {  	[dreg:$0x4] =	wrdreg $0xAC000  }
0xb1: {  	[dreg:$0x5] =	wrdreg $0x9  }
0xb2: {  	_ =	task.clear_ibuf [dreg:s7], $0x6FFFF;
	_ =	strace $0x90000049  }
0xb3: {  	s29 =	simm.s32 $0x9;
	_ =	strace $0x8000004B  }
0xb4: {  	_ =	swait.ge [sflag:s29], $0x1  }
0xb5: {  	[sflag:s29] =	ssyncadd.s32 $0xFFFFFFFF  }
0xb6: {  	_ =	strace $0x9000004B  }
0xb7: {  	_ =	sfence  }
0xb8: {  	s30 =	sld [smem:$0x0];
	_ =	sdelay $0x2  }
0xb9: {  	s31 =	sshll.u32 s1, $0xD;
	s1 =	sshrl.u32 s1, $0x2  }
0xba: {  	s3 =	sand.u32 $0x4000, s31;
	s1 =	sadd.s32 s1, s30  }
0xbb: {  	s0 =	sor.u32 s3, s0;
	s1 =	sshll.u32 s1, $0x11  }
0xbc: {  	s0 =	sor.u32 s1, s0  }
0xbd: {  	s0 =	sadd.s32 $0x8F2B, s0  }
0xbe: {  	[sflag:s0] =	ssyncadd.remote.s32 $0x1  }
0xbf: {  	_ =	sfence.sel $0xFFFF  }
0xc0: {  	[dreg:$0x0] =	wrdreg $0xFFFFFFFF;
	(pc) =	sbr.abs _section_cstart, $3  }
0xc1: {  	[dreg:$0x1] =	wrdreg $0xFFFFFFFF  }
0xc2: {  	_ =	task.clear_ibuf [dreg:s7], $0x2FFFF;
	_ =	strace $0x9FFFFFFF  }
0xc3: {  	(tm) =	ssettm $0x7FFFFFFF  }
tec
execute0_lowered:
.L_overlay_start_1:
0x0: {  	(tag) =	ssettag $0x1  }
0x1: {  	s2 =	rddreg [dreg:$0x0]  }
0x2: {  	s5 =	rddreg [dreg:$0x1]  }
0x3: {  	s3 =	rddreg [dreg:$0x2]  }
0x4: {  	s0 =	rddreg [dreg:$0x3];
	s1 =	stileid.u32  }
0x5: {  	s6 =	srdreg.scid;
	s4 =	simm.s32 $0x0;
	s17 =	simm.s32 $0x2C00  }
0x6: {  	s18 =	simm.s32 $0x1;
	s19 =	simm.s32 $0x6C00;
	s20 =	simm.s32 $0x0  }
0x7: {  	s7 =	smul.u32 $0x2800, s1;
	s6 =	sand.u32 $0x1, s6;
	[smem:$0x7FF] =	sst s4  }
0x8: {  	s9 =	sadd.s32 $0xC800, s5;
	s10 =	sadd.s32 $0x2000, s5;
	s12 =	smul.u32 $0x50000, s1  }
0x9: {  	s29 =	sshll.u32 s1, $0x6;
	s8 =	smul.u32 $0x28000, s6;
	_ =	strace $0x8000004A  }
0xa: {  	s23 =	sshll.u32 s6, $0x4;
	s6 =	ssub.s32 $0x2, s6;
	s11 =	sadd.s32 s7, s5  }
0xb: {  	s24 =	sshrl.u32 s6, $0x1;
	s7 =	sadd.s32 s7, s8;
	s8 =	sor.u32 s1, s23  }
0xc: {  	s26 =	sshrl.u32 s12, $0x2;
	s14 =	ssub.s32 s6, s24;
	s25 =	smul.u32 $0x580, s8  }
0xd: {  	s15 =	sadd.s32 s26, s3;
	s6 =	sor.u32 $0x1C02, s29;
	s28 =	smul.u32 $0x2C00, s8  }
0xe: {  	s13 =	sadd.s32 s7, s5;
	s16 =	smul.u32 $0x2800, s8;
	s5 =	sadd.s32 $0x17800, s11  }
0xf: {  	s8 =	smul.u32 $0x500, s8;
	s12 =	smax.u32 s14, $0x1;
	s14 =	simm.s32 $0x2  }
0x10: {  	s11 =	sadd.s32 $0x3F800, s13;
	s13 =	sshrl.u32 s15, $0x3;
	s15 =	simm.s32 $0x1800  }
0x11: {  	s7 =	sadd.s32 s9, s25;
	s30 =	sshrl.u32 s28, $0x3;
	s31 =	sshrl.u32 s16, $0x3  }
0x12: {  	s8 =	sadd.s32 s10, s8;
	s9 =	sadd.s32 s9, s30;
	s10 =	sadd.s32 s10, s31  }
0x13: {  	s16 =	simm.s32 $0x80;
	s9 =	sadd.s32 $0x280, s9;
	s10 =	sadd.s32 $0x280, s10  }
.LBB2_1:
0x14: {  	[spmem:s13], [sflag:s6] =	dma.local [hbm:s5], $0x2800  }
0x15: {  	_ =	swait.ge [sflag:s14], $0x2800  }
0x16: {  	[sflag:s14] =	ssyncset.done $0x0  }
0x17: {  	[sflag:s14] =	ssyncadd.s32 $0xFFFFD800  }
0x18: {  	[bflag:$0x0] =	sbarrier.arrive $0xFFFF  }
0x19: {  	[tilespmem:s4], [sflag:$0x2] =	stream.linear.gather [hbm4b:s7+s4], $0x1800, $0x38;
	[tilespmem:$0x1EC00] =	vst v63  }
0x1a: {  	_ =	swait.ge [sflag:s14], $0x1800  }
0x1b: {  	[sflag:s14] =	ssyncset.done $0x0  }
0x1c: {  	[sflag:s14] =	ssyncadd.s32 $0xFFFFE800  }
0x1d: {  	[tilespmem:s15], [sflag:$0x2] =	stream.linear.gather [hbm4b:s8+s4], $0x1400, $0x38;
	[tilespmem:$0x1EC00] =	vst v63  }
0x1e: {  	_ =	swait.ge [sflag:s14], $0x1400  }
0x1f: {  	[sflag:s14] =	ssyncset.done $0x0  }
0x20: {  	[sflag:s14] =	ssyncadd.s32 $0xFFFFEC00  }
0x21: {  	[tilespmem:s17], [sflag:$0x1] =	stream.indirect.gather [hbm4b:s2+s16], $0x80, s4, s16, $0xb8;
	[tilespmem:$0x1EC00] =	vst v63  }
0x22: {  	_ =	swait.ge [sflag:s18], $0x4000  }
0x23: {  	[sflag:s18] =	ssyncset.done $0x0  }
0x24: {  	s21 =	simm.s32 $0x80;
	[sflag:s18] =	ssyncadd.s32 $0xFFFFC000  }
0x25: {  	[tilespmem:s19], [sflag:$0x1] =	stream.indirect.gather [hbm4b:s2+s16], $0x80, s21, s16, $0xb8;
	[tilespmem:$0x1EC00] =	vst v63  }
0x26: {  	s29 =	simm.s32 $0x1800  }
0x27: {  	[spmem:s3] =	stream.indirect.scatter.add.f32 [tilespmem:s17], [sflag:$0x2], $0x80, s29, s16, $0xb8;
	[tilespmem:$0x1EC00] =	vst v63  }
0x28: {  	_ =	swait.ge [sflag:s14], $0x4000  }
0x29: {  	[sflag:s14] =	ssyncset.done $0x0  }
0x2a: {  	[sflag:s14] =	ssyncadd.s32 $0xFFFFC000  }
0x2b: {  	_ =	swait.ge [sflag:s18], $0x4000  }
0x2c: {  	[sflag:s18] =	ssyncset.done $0x0  }
0x2d: {  	s30 =	simm.s32 $0x100;
	[sflag:s18] =	ssyncadd.s32 $0xFFFFC000  }
0x2e: {  	[tilespmem:s17], [sflag:$0x1] =	stream.indirect.gather [hbm4b:s2+s16], $0x80, s30, s16, $0xb8;
	[tilespmem:$0x1EC00] =	vst v63  }
0x2f: {  	s31 =	simm.s32 $0x1880  }
0x30: {  	[spmem:s3] =	stream.indirect.scatter.add.f32 [tilespmem:s19], [sflag:$0x2], $0x80, s31, s16, $0xb8;
	[tilespmem:$0x1EC00] =	vst v63  }
0x31: {  	_ =	swait.ge [sflag:s14], $0x4000  }
0x32: {  	s21 =	simm.s32 $0x400;
	[sflag:s14] =	ssyncset.done $0x0  }
.LBB2_2:
0x33: {  	p0 =	sne.s32 s21, $0x4C00  }
0x34: {  	[sflag:s14] =	ssyncadd.s32 $0xFFFFC000;
	s22 =	smov.u32 s21;
	s21 =	sadd.s32 $0x400, s21  }
0x35: {  	_ = 	snop  }
0x36: {  	_ =	swait.ge [sflag:s18], $0x4000  }
0x37: {  	s22 =	sshra.s32 s22, $0x2;
	[sflag:s18] =	ssyncset.done $0x0  }
0x38: {  	s23 =	sadd.s32 $0x80, s22;
	[sflag:s18] =	ssyncadd.s32 $0xFFFFC000  }
0x39: {  	[tilespmem:s19], [sflag:$0x1] =	stream.indirect.gather [hbm4b:s2+s16], $0x80, s23, s16, $0xb8;
	[tilespmem:$0x1EC00] =	vst v63  }
0x3a: {  	s23 =	sadd.s32 $0x1800, s22  }
0x3b: {  	[spmem:s3] =	stream.indirect.scatter.add.f32 [tilespmem:s17], [sflag:$0x2], $0x80, s23, s16, $0xb8;
	[tilespmem:$0x1EC00] =	vst v63  }
0x3c: {  	_ =	swait.ge [sflag:s14], $0x4000  }
0x3d: {  	[sflag:s14] =	ssyncset.done $0x0  }
0x3e: {  	[sflag:s14] =	ssyncadd.s32 $0xFFFFC000  }
0x3f: {  	_ =	swait.ge [sflag:s18], $0x4000  }
0x40: {  	[sflag:s18] =	ssyncset.done $0x0  }
0x41: {  	s23 =	sadd.s32 $0x100, s22;
	[sflag:s18] =	ssyncadd.s32 $0xFFFFC000  }
0x42: {  	[tilespmem:s17], [sflag:$0x1] =	stream.indirect.gather [hbm4b:s2+s16], $0x80, s23, s16, $0xb8;
	[tilespmem:$0x1EC00] =	vst v63  }
.Ltmp0:
0x43: {  	_ = 	snop;
	(pc) =	sbr.rel @p0 .LBB2_2-.Ltmp0, $4  }
0x44: {  	s22 =	sadd.s32 $0x1880, s22  }
0x45: {  	[spmem:s3] =	stream.indirect.scatter.add.f32 [tilespmem:s19], [sflag:$0x2], $0x80, s22, s16, $0xb8;
	[tilespmem:$0x1EC00] =	vst v63  }
0x46: {  	_ =	swait.ge [sflag:s14], $0x4000  }
0x47: {  	[sflag:s14] =	ssyncset.done $0x0  }
0x48: {  	[sflag:s14] =	ssyncadd.s32 $0xFFFFC000  }
0x49: {  	_ =	swait.ge [sflag:s18], $0x4000  }
0x4a: {  	[sflag:s18] =	ssyncset.done $0x0  }
0x4b: {  	s21 =	simm.s32 $0x0;
	[sflag:s18] =	ssyncadd.s32 $0xFFFFC000  }
0x4c: {  	[tilespmem:s21], [sflag:$0x2] =	stream.linear.gather [hbm4b:s9+s21], $0x1800, $0x38;
	[tilespmem:$0x1EC00] =	vst v63  }
0x4d: {  	_ =	swait.ge [sflag:s14], $0x1800  }
0x4e: {  	[sflag:s14] =	ssyncset.done $0x0  }
0x4f: {  	[sflag:s14] =	ssyncadd.s32 $0xFFFFE800  }
0x50: {  	[tilespmem:s15], [sflag:$0x2] =	stream.linear.gather [hbm4b:s10+s21], $0x1400, $0x38;
	[tilespmem:$0x1EC00] =	vst v63  }
0x51: {  	_ =	swait.ge [sflag:s14], $0x1400  }
0x52: {  	[sflag:s14] =	ssyncset.done $0x0  }
0x53: {  	[sflag:s14] =	ssyncadd.s32 $0xFFFFEC00  }
0x54: {  	[tilespmem:s17], [sflag:$0x1] =	stream.indirect.gather [hbm4b:s2+s16], $0x80, s21, s16, $0xb8;
	[tilespmem:$0x1EC00] =	vst v63  }
0x55: {  	_ =	swait.ge [sflag:s18], $0x4000  }
0x56: {  	[sflag:s18] =	ssyncset.done $0x0  }
0x57: {  	s28 =	simm.s32 $0x80;
	[sflag:s18] =	ssyncadd.s32 $0xFFFFC000  }
0x58: {  	[tilespmem:s19], [sflag:$0x1] =	stream.indirect.gather [hbm4b:s2+s16], $0x80, s28, s16, $0xb8;
	[tilespmem:$0x1EC00] =	vst v63  }
0x59: {  	s29 =	simm.s32 $0x1800  }
0x5a: {  	[spmem:s3] =	stream.indirect.scatter.add.f32 [tilespmem:s17], [sflag:$0x2], $0x80, s29, s16, $0xb8;
	[tilespmem:$0x1EC00] =	vst v63  }
0x5b: {  	_ =	swait.ge [sflag:s14], $0x4000  }
0x5c: {  	[sflag:s14] =	ssyncset.done $0x0  }
0x5d: {  	[sflag:s14] =	ssyncadd.s32 $0xFFFFC000  }
0x5e: {  	_ =	swait.ge [sflag:s18], $0x4000  }
0x5f: {  	[sflag:s18] =	ssyncset.done $0x0  }
0x60: {  	s30 =	simm.s32 $0x100;
	[sflag:s18] =	ssyncadd.s32 $0xFFFFC000  }
0x61: {  	[tilespmem:s17], [sflag:$0x1] =	stream.indirect.gather [hbm4b:s2+s16], $0x80, s30, s16, $0xb8;
	[tilespmem:$0x1EC00] =	vst v63  }
0x62: {  	s31 =	simm.s32 $0x1880  }
0x63: {  	[spmem:s3] =	stream.indirect.scatter.add.f32 [tilespmem:s19], [sflag:$0x2], $0x80, s31, s16, $0xb8;
	[tilespmem:$0x1EC00] =	vst v63  }
0x64: {  	_ =	swait.ge [sflag:s14], $0x4000  }
0x65: {  	s21 =	simm.s32 $0x400;
	[sflag:s14] =	ssyncset.done $0x0  }
.LBB2_4:
0x66: {  	p0 =	sne.s32 s21, $0x4C00  }
0x67: {  	[sflag:s14] =	ssyncadd.s32 $0xFFFFC000;
	s22 =	smov.u32 s21;
	s21 =	sadd.s32 $0x400, s21  }
0x68: {  	_ = 	snop  }
0x69: {  	_ =	swait.ge [sflag:s18], $0x4000  }
0x6a: {  	s22 =	sshra.s32 s22, $0x2;
	[sflag:s18] =	ssyncset.done $0x0  }
0x6b: {  	s23 =	sadd.s32 $0x80, s22;
	[sflag:s18] =	ssyncadd.s32 $0xFFFFC000  }
0x6c: {  	[tilespmem:s19], [sflag:$0x1] =	stream.indirect.gather [hbm4b:s2+s16], $0x80, s23, s16, $0xb8;
	[tilespmem:$0x1EC00] =	vst v63  }
0x6d: {  	s23 =	sadd.s32 $0x1800, s22  }
0x6e: {  	[spmem:s3] =	stream.indirect.scatter.add.f32 [tilespmem:s17], [sflag:$0x2], $0x80, s23, s16, $0xb8;
	[tilespmem:$0x1EC00] =	vst v63  }
0x6f: {  	_ =	swait.ge [sflag:s14], $0x4000  }
0x70: {  	[sflag:s14] =	ssyncset.done $0x0  }
0x71: {  	[sflag:s14] =	ssyncadd.s32 $0xFFFFC000  }
0x72: {  	_ =	swait.ge [sflag:s18], $0x4000  }
0x73: {  	[sflag:s18] =	ssyncset.done $0x0  }
0x74: {  	s23 =	sadd.s32 $0x100, s22;
	[sflag:s18] =	ssyncadd.s32 $0xFFFFC000  }
0x75: {  	[tilespmem:s17], [sflag:$0x1] =	stream.indirect.gather [hbm4b:s2+s16], $0x80, s23, s16, $0xb8;
	[tilespmem:$0x1EC00] =	vst v63  }
.Ltmp1:
0x76: {  	_ = 	snop;
	(pc) =	sbr.rel @p0 .LBB2_4-.Ltmp1, $4  }
0x77: {  	s22 =	sadd.s32 $0x1880, s22  }
0x78: {  	[spmem:s3] =	stream.indirect.scatter.add.f32 [tilespmem:s19], [sflag:$0x2], $0x80, s22, s16, $0xb8;
	[tilespmem:$0x1EC00] =	vst v63  }
0x79: {  	_ =	swait.ge [sflag:s14], $0x4000  }
0x7a: {  	[sflag:s14] =	ssyncset.done $0x0  }
0x7b: {  	[sflag:s14] =	ssyncadd.s32 $0xFFFFC000  }
0x7c: {  	_ =	swait.ge [sflag:s18], $0x4000  }
0x7d: {  	s20 =	sadd.s32 $0x1, s20;
	[sflag:s18] =	ssyncset.done $0x0  }
0x7e: {  	p0 =	sne.s32 s20, s12;
	[sflag:s18] =	ssyncadd.s32 $0xFFFFC000  }
.Ltmp2:
0x7f: {  	[bflag:$0x0] =	sbarrier.arrive $0xFFFF;
	(pc) =	sbr.rel @p0 .LBB2_1-.Ltmp2, $4  }
0x80: {  	[hbm:s11], [sflag:s6] =	dma.local [spmem:s13], $0x2800  }
0x81: {  	_ =	swait.ge [sflag:s14], $0x2800  }
0x82: {  	[sflag:s14] =	ssyncset.done $0x0  }
0x83: {  	[sflag:s14] =	ssyncadd.s32 $0xFFFFD800  }
0x84: {  	_ =	sfence.sel $0x180000  }
0x85: {  	[bflag:$0x0] =	sbarrier.arrive $0xFFFF  }
0x86: {  	p0 =	sne.s32 s1, $0x0;
	_ =	strace $0x9000004A  }
0x87: {  	s0 =	sadd.s32 @!p0 $0x100000, s0;
	[bflag:$0x2] =	sbarrier.arrive $0xFFFF  }
0x88: {  	[sflag:s0] =	ssyncadd.tile.s32 @!p0 $0x1;
	_ =	shalt  }
.Lfunc_end2:
_tile_overlayer_lowered:
.L_overlay_start_2:
0x89: {  	(tag) =	ssettag $0x2  }
0x8a: {  	s0 =	rddreg [dreg:$0x0];
	s2 =	stileid.u32  }
0x8b: {  	s1 =	rddreg [dreg:$0x1];
	p0 =	sne.s32 s2, $0x0  }
0x8c: {  	s3 =	rddreg [dreg:$0x2];
	[bflag:$0x3] =	sbarrier.arrive $0xFFFF;
	s2 =	simm.s32 @!p0 $0x1C02  }
0x8d: {  	[timem:s3], [sflag:s2] =	dma.local @!p0 [hbm:s0], s1  }
0x8e: {  	s0 =	simm.s32 @!p0 $0x2  }
0x8f: {  	_ =	swait.ge @!p0 [sflag:s0], s1  }
0x90: {  	s1 =	ssub.s32 @!p0 $0x0, s1;
	[sflag:s0] =	ssyncset.done @!p0 $0x0  }
0x91: {  	[sflag:s0] =	ssyncadd.s32 @!p0 s1  }
0x92: {  	[bflag:$0x3] =	sbarrier.arrive $0xFFFF  }
0x93: {  	_ =	shalt  }

// kernel: kernel.14.cloned.1.call-start
scs
__scs_entry_jumppad:
0x0: {  	(pc) =	sbr.rel $0x88, $3  }
0x1: {  	(tag) =	ssettag $0x0;
	lr =	simm.s32 $0x1  }
0x2: {  	[smem:$0x3F9B] =	sst lr;
	_ =	strace $0xD0000000  }
0x3: {  	_ = 	snop  }
0x4: {  	_ = 	snop  }
0x5: {  	_ = 	snop  }
0x6: {  	_ = 	snop  }
0x7: {  	_ = 	snop  }
__scs_overlays_trampoline_lowered:
0x8: {  	[smem:$0x3FAA] =	sst s0  }
0x9: {  	[smem:$0x3FAB] =	sst s1  }
0xa: {  	[smem:$0x3FAC] =	sst s2  }
0xb: {  	[smem:$0x3FAD] =	sst s3  }
0xc: {  	[smem:$0x3FAE] =	sst s4  }
0xd: {  	[smem:$0x3FAF] =	sst s5  }
0xe: {  	[smem:$0x3FB0] =	sst s6  }
0xf: {  	[smem:$0x3FB1] =	sst s7  }
0x10: {  	[smem:$0x3FB2] =	sst s8  }
0x11: {  	[smem:$0x3FB3] =	sst s9;
	s0 =	simm.s32 @!p0 $0x0  }
0x12: {  	s1 =	sld [smem:$0x3F99];
	s0 =	simm.s32 @p0 $0x1  }
0x13: {  	[smem:$0x3FB4] =	sst s0;
	s0 =	simm.s32 @!p1 $0x0  }
0x14: {  	s2 =	sld [smem:$0x3F98];
	s0 =	simm.s32 @p1 $0x1  }
0x15: {  	[smem:$0x3FB5] =	sst s0;
	s0 =	simm.s32 @!p2 $0x0  }
0x16: {  	s3 =	sld [smem:$0x3FDB];
	s0 =	simm.s32 @p2 $0x1  }
0x17: {  	s4 =	simm.s32 $0x1BF5;
	[smem:$0x3FB7] =	sst s0  }
0x18: {  	s0 =	sld [smem:$0x3F9A];
	_ =	swait.ge [sflag:s4], $0x0  }
0x19: {  	s7 =	sld [smem:$0x3F9B]  }
0x1a: {  	s8 =	sadd.s32 $0xFFFFE003, lr  }
0x1b: {  	s9 =	sadd.s32 $0xFFFFFEF7, lr;
	s5 =	simm.s32 $0xFFFFFFFF;
	p2 =	slt.u32 s8, $0xFFFFF086  }
0x1c: {  	p1 =	slt.u32 s9, $0xF7A;
	s5 =	simm.s32 @!p2 $0x0  }
0x1d: {  	s5 =	simm.s32 @p1 $0x1;
	p0 =	seq.s32 s7, s2  }
0x1e: {  	s7 =	smul.u32 @!p0 $0xF7A, s2;
	p2 =	seq.s32 @!p0 s5, $0x0  }
0x1f: {  	s9 =	smul.u32 $0xF7A, s1;
	s8 =	simm.s32 @!p0 $0x1BF5;
	p2 =	por !p2, p0  }
0x20: {  	[sflag:s8] =	ssyncset.s32 @!p0 $0xFFFFF086;
	s6 =	sadd.s32 @!p0 s3, s7;
	s7 =	simm.s32 @!p0 $0x108  }
0x21: {  	s3 =	sadd.s32 s3, s9;
	s6 =	sadd.s32 @!p0 $0x88, s6;
	s7 =	simm.s32 @p2 $0x1082  }
0x22: {  	[simem:s7], [sflag:s8] =	dma.local @!p0 [hbm:s6], $0xF7A  }
0x23: {  	s9 =	sor.u32 $0xD0000000, s2;
	s6 =	simm.s32 $0x108;
	_ =	swait.ge @!p0 [sflag:s8], $0x0  }
0x24: {  	s3 =	sadd.s32 $0x88, s3;
	s6 =	simm.s32 @!p1 $0x1082;
	[sflag:s4] =	ssyncset.s32 $0xFFFFF086  }
0x25: {  	[simem:s6], [sflag:s4] =	dma.local [hbm:s3], $0xF7A  }
0x26: {  	[smem:$0x3F9B] =	sst s1;
	(tag) =	ssettag s2;
	_ =	strace s9  }
0x27: {  	s1 =	sld [smem:$0x3FAB]  }
0x28: {  	s2 =	sld [smem:$0x3FAC]  }
0x29: {  	s4 =	sld [smem:$0x3FAE]  }
0x2a: {  	p0 =	seq.s32 s5, $0x0;
	s5 =	sld [smem:$0x3FAF]  }
0x2b: {  	s6 =	sld [smem:$0x3FB0]  }
0x2c: {  	s7 =	sld [smem:$0x3FB1]  }
0x2d: {  	s3 =	simm.s32 $0x108;
	s8 =	sld [smem:$0x3FB2]  }
0x2e: {  	s3 =	simm.s32 @!p0 $0x1082;
	s9 =	sld [smem:$0x3FB3]  }
0x2f: {  	lr =	sadd.s32 s0, s3;
	s0 =	sld [smem:$0x3FAA]  }
0x30: {  	s3 =	sld [smem:$0x3FAD]  }
0x31: {  	[smem:$0x3FB6] =	sst s10  }
0x32: {  	s10 =	sld [smem:$0x3FB4];
	_ =	sdelay $0x3  }
0x33: {  	p0 =	seq.s32 s10, $0x1;
	s10 =	sld [smem:$0x3FB6];
	_ =	sdelay $0x3  }
0x34: {  	[smem:$0x3FB6] =	sst s10  }
0x35: {  	s10 =	sld [smem:$0x3FB5];
	_ =	sdelay $0x3  }
0x36: {  	p1 =	seq.s32 s10, $0x1;
	s10 =	sld [smem:$0x3FB6];
	_ =	sdelay $0x3  }
0x37: {  	[smem:$0x3FB6] =	sst s10  }
0x38: {  	s10 =	sld [smem:$0x3FB7]  }
0x39: {  	_ = 	snop;
	(pc) =	sbr.ind lr, $3  }
0x3a: {  	_ = 	snop  }
0x3b: {  	_ = 	snop  }
0x3c: {  	p2 =	seq.s32 s10, $0x1;
	s10 =	sld [smem:$0x3FB6]  }
0x3d: {  	_ =	shalt  }
0x3e: {  	_ =	shalt  }
0x3f: {  	_ =	shalt  }
0x40: {  	_ =	shalt  }
0x41: {  	_ =	shalt  }
0x42: {  	_ =	shalt  }
0x43: {  	_ =	shalt  }
0x44: {  	_ =	shalt  }
0x45: {  	_ =	shalt  }
0x46: {  	_ =	shalt  }
0x47: {  	_ =	shalt  }
0x48: {  	_ =	shalt  }
0x49: {  	_ =	shalt  }
0x4a: {  	_ =	shalt  }
0x4b: {  	_ =	shalt  }
0x4c: {  	_ =	shalt  }
0x4d: {  	_ =	shalt  }
0x4e: {  	_ =	shalt  }
0x4f: {  	_ =	shalt  }
0x50: {  	_ =	shalt  }
0x51: {  	_ =	shalt  }
0x52: {  	_ =	shalt  }
0x53: {  	_ =	shalt  }
0x54: {  	_ =	shalt  }
0x55: {  	_ =	shalt  }
0x56: {  	_ =	shalt  }
0x57: {  	_ =	shalt  }
0x58: {  	_ =	shalt  }
0x59: {  	_ =	shalt  }
0x5a: {  	_ =	shalt  }
0x5b: {  	_ =	shalt  }
0x5c: {  	_ =	shalt  }
0x5d: {  	_ =	shalt  }
0x5e: {  	_ =	shalt  }
0x5f: {  	_ =	shalt  }
0x60: {  	_ =	shalt  }
0x61: {  	_ =	shalt  }
0x62: {  	_ =	shalt  }
0x63: {  	_ =	shalt  }
0x64: {  	_ =	shalt  }
0x65: {  	_ =	shalt  }
0x66: {  	_ =	shalt  }
0x67: {  	_ =	shalt  }
0x68: {  	_ =	shalt  }
0x69: {  	_ =	shalt  }
0x6a: {  	_ =	shalt  }
0x6b: {  	_ =	shalt  }
0x6c: {  	_ =	shalt  }
0x6d: {  	_ =	shalt  }
0x6e: {  	_ =	shalt  }
0x6f: {  	_ =	shalt  }
0x70: {  	_ =	shalt  }
0x71: {  	_ =	shalt  }
0x72: {  	_ =	shalt  }
0x73: {  	_ =	shalt  }
0x74: {  	_ =	shalt  }
0x75: {  	_ =	shalt  }
0x76: {  	_ =	shalt  }
0x77: {  	_ =	shalt  }
0x78: {  	_ =	shalt  }
0x79: {  	_ =	shalt  }
0x7a: {  	_ =	shalt  }
0x7b: {  	_ =	shalt  }
0x7c: {  	_ =	shalt  }
0x7d: {  	_ =	shalt  }
0x7e: {  	_ =	shalt  }
0x7f: {  	_ =	shalt  }
0x80: {  	_ =	shalt  }
0x81: {  	_ =	shalt  }
0x82: {  	_ =	shalt  }
0x83: {  	_ =	shalt  }
0x84: {  	_ =	shalt  }
0x85: {  	_ =	shalt  }
0x86: {  	_ =	shalt  }
0x87: {  	_ =	shalt  }
.Lfunc_end0:
.L_simem_size_0:
called_computation.2_lowered:
.L_overlay_start_0:
0x88: {  	s2 =	sld [smem:$0x3FD9]  }
0x89: {  	s3 =	sld [smem:$0x3FFE];
	_ =	sdelay $0x1  }
0x8a: {  	s1 =	srdreg.scid  }
0x8b: {  	s0 =	sand.u32 $0x1, s1  }
0x8c: {  	s17 =	sshll.u32 s0, $0xA;
	s2 =	sadd.s32 s3, s2  }
0x8d: {  	s2 =	sadd.s32 s2, s17  }
0x8e: {  	[smem:$0x3FC2] =	sst s2  }
0x8f: {  	_ = 	snop  }
0x90: {  	s2 =	sld [smem:$0x3FD0];
	(tm) =	ssettm $0x1  }
0x91: {  	s18 =	sld [smem:$0x3FFB];
	_ =	sdelay $0x3  }
0x92: {  	_ =	strace s18  }
0x93: {  	s3 =	sld [smem:$0x3FFC];
	_ =	sdelay $0x3  }
0x94: {  	_ =	strace s3  }
0x95: {  	s3 =	sld [smem:$0x3FFD];
	_ =	sdelay $0x3  }
0x96: {  	_ =	strace s3  }
0x97: {  	_ =	strace $0x8FFFFFFF  }
0x98: {  	s19 =	sld [smem:$0x3FDB];
	_ =	sdelay $0x1  }
0x99: {  	s4 =	simm.s32 $_scs_section_size  }
0x9a: {  	s5 =	simm.s32 $_size__tile_overlayer_lowered;
	s6 =	simm.s32 $_tile_overlayer_lowered  }
0x9b: {  	s22 =	simm.s32 $0x1BFF;
	s21 =	sshll.u32 s6, $0x1;
	s3 =	sadd.s32 s4, s19  }
0x9c: {  	s7 =	simm.s32 $0x0;
	s20 =	sshll.u32 s5, $0x1;
	s5 =	sadd.s32 s21, s3  }
0x9d: {  	[timem:s7], [sflag:s22] =	dma.local [hbm:s5], s20  }
0x9e: {  	_ =	swait.ge [sflag:s22], s20  }
0x9f: {  	s4 =	ssub.s32 $0x0, s20;
	[sflag:s22] =	ssyncset.done $0x0  }
0xa0: {  	[sflag:s22] =	ssyncadd.s32 s4;
	_ =	sdelay $0x1  }
0xa1: {  	s23 =	simm.s32 $0x1B8B  }
0xa2: {  	_ =	swait.ge [sflag:s23], $0x1  }
0xa3: {  	[sflag:s23] =	ssyncset.done $0x0  }
0xa4: {  	s25 =	simm.s32 $0x1B8E;
	s24 =	sld [smem:$0x3FFE];
	[sflag:s23] =	ssyncadd.s32 $0xFFFFFFFF  }
0xa5: {  	s26 =	simm.s32 $execute0_lowered;
	[smem:$0x3FD2] =	sst s25  }
0xa6: {  	s5 =	sshll.u32 s26, $0x1;
	_ =	strace $0x8000004C;
	[dreg:$0x1] =	wrdreg $0xFFFFFFFF  }
0xa7: {  	s28 =	simm.s32 $_size_execute0_lowered;
	s3 =	sadd.s32 s3, s5;
	[dreg:$0x0] =	wrdreg $0x0  }
0xa8: {  	s5 =	sshll.u32 s28, $0x1;
	[dreg:$0x2] =	wrdreg s3  }
0xa9: {  	[dreg:$0x3] =	wrdreg s5  }
0xaa: {  	[dreg:$0x4] =	wrdreg $0xC0  }
0xab: {  	_ =	task [dreg:s7], $0x5FFFF  }
0xac: {  	[dreg:$0x1] =	wrdreg $0xFFFFFFFF  }
0xad: {  	[dreg:$0x0] =	wrdreg $0x60  }
0xae: {  	[dreg:$0x2] =	wrdreg s2  }
0xaf: {  	[dreg:$0x3] =	wrdreg s24  }
0xb0: {  	[dreg:$0x4] =	wrdreg $0xAC000  }
0xb1: {  	[dreg:$0x5] =	wrdreg $0x9  }
0xb2: {  	_ =	task.clear_ibuf [dreg:s7], $0x6FFFF;
	_ =	strace $0x9000004C  }
0xb3: {  	s29 =	simm.s32 $0x9;
	_ =	strace $0x8000004E  }
0xb4: {  	_ =	swait.ge [sflag:s29], $0x1  }
0xb5: {  	[sflag:s29] =	ssyncadd.s32 $0xFFFFFFFF  }
0xb6: {  	_ =	strace $0x9000004E  }
0xb7: {  	_ =	sfence  }
0xb8: {  	s30 =	sld [smem:$0x0];
	_ =	sdelay $0x2  }
0xb9: {  	s31 =	sshll.u32 s1, $0xD;
	s1 =	sshrl.u32 s1, $0x2  }
0xba: {  	s3 =	sand.u32 $0x4000, s31;
	s1 =	sadd.s32 s1, s30  }
0xbb: {  	s0 =	sor.u32 s3, s0;
	s1 =	sshll.u32 s1, $0x11  }
0xbc: {  	s0 =	sor.u32 s1, s0  }
0xbd: {  	s0 =	sadd.s32 $0x8F2B, s0  }
0xbe: {  	[sflag:s0] =	ssyncadd.remote.s32 $0x1  }
0xbf: {  	_ =	sfence.sel $0xFFFF  }
0xc0: {  	[dreg:$0x0] =	wrdreg $0xFFFFFFFF;
	(pc) =	sbr.abs _section_cstart, $3  }
0xc1: {  	[dreg:$0x1] =	wrdreg $0xFFFFFFFF  }
0xc2: {  	_ =	task.clear_ibuf [dreg:s7], $0x2FFFF;
	_ =	strace $0x9FFFFFFF  }
0xc3: {  	(tm) =	ssettm $0x7FFFFFFF  }
tec
execute0_lowered:
.L_overlay_start_1:
0x0: {  	(tag) =	ssettag $0x1  }
0x1: {  	s2 =	rddreg [dreg:$0x0]  }
0x2: {  	s5 =	rddreg [dreg:$0x1]  }
0x3: {  	s3 =	rddreg [dreg:$0x2]  }
0x4: {  	s0 =	rddreg [dreg:$0x3];
	s1 =	stileid.u32  }
0x5: {  	s6 =	srdreg.scid;
	s4 =	simm.s32 $0x0;
	s17 =	simm.s32 $0x2C00  }
0x6: {  	s18 =	simm.s32 $0x1;
	s19 =	simm.s32 $0x6C00;
	s20 =	simm.s32 $0x0  }
0x7: {  	s7 =	smul.u32 $0x2800, s1;
	s6 =	sand.u32 $0x1, s6;
	[smem:$0x7FF] =	sst s4  }
0x8: {  	s9 =	sadd.s32 $0xC800, s5;
	s10 =	sadd.s32 $0x2000, s5;
	s12 =	smul.u32 $0x50000, s1  }
0x9: {  	s29 =	sshll.u32 s1, $0x6;
	s8 =	smul.u32 $0x28000, s6;
	_ =	strace $0x8000004D  }
0xa: {  	s23 =	sshll.u32 s6, $0x4;
	s6 =	ssub.s32 $0x2, s6;
	s11 =	sadd.s32 s7, s5  }
0xb: {  	s24 =	sshrl.u32 s6, $0x1;
	s7 =	sadd.s32 s7, s8;
	s8 =	sor.u32 s1, s23  }
0xc: {  	s26 =	sshrl.u32 s12, $0x2;
	s14 =	ssub.s32 s6, s24;
	s25 =	smul.u32 $0x580, s8  }
0xd: {  	s15 =	sadd.s32 s26, s3;
	s6 =	sor.u32 $0x1C02, s29;
	s28 =	smul.u32 $0x2C00, s8  }
0xe: {  	s13 =	sadd.s32 s7, s5;
	s16 =	smul.u32 $0x2800, s8;
	s5 =	sadd.s32 $0x17800, s11  }
0xf: {  	s8 =	smul.u32 $0x500, s8;
	s12 =	smax.u32 s14, $0x1;
	s14 =	simm.s32 $0x2  }
0x10: {  	s11 =	sadd.s32 $0x3F800, s13;
	s13 =	sshrl.u32 s15, $0x3;
	s15 =	simm.s32 $0x1800  }
0x11: {  	s7 =	sadd.s32 s9, s25;
	s30 =	sshrl.u32 s28, $0x3;
	s31 =	sshrl.u32 s16, $0x3  }
0x12: {  	s8 =	sadd.s32 s10, s8;
	s9 =	sadd.s32 s9, s30;
	s10 =	sadd.s32 s10, s31  }
0x13: {  	s16 =	simm.s32 $0x80;
	s9 =	sadd.s32 $0x280, s9;
	s10 =	sadd.s32 $0x280, s10  }
.LBB2_1:
0x14: {  	[spmem:s13], [sflag:s6] =	dma.local [hbm:s5], $0x2800  }
0x15: {  	_ =	swait.ge [sflag:s14], $0x2800  }
0x16: {  	[sflag:s14] =	ssyncset.done $0x0  }
0x17: {  	[sflag:s14] =	ssyncadd.s32 $0xFFFFD800  }
0x18: {  	[bflag:$0x0] =	sbarrier.arrive $0xFFFF  }
0x19: {  	[tilespmem:s4], [sflag:$0x2] =	stream.linear.gather [hbm4b:s7+s4], $0x1800, $0x38;
	[tilespmem:$0x1EC00] =	vst v63  }
0x1a: {  	_ =	swait.ge [sflag:s14], $0x1800  }
0x1b: {  	[sflag:s14] =	ssyncset.done $0x0  }
0x1c: {  	[sflag:s14] =	ssyncadd.s32 $0xFFFFE800  }
0x1d: {  	[tilespmem:s15], [sflag:$0x2] =	stream.linear.gather [hbm4b:s8+s4], $0x1400, $0x38;
	[tilespmem:$0x1EC00] =	vst v63  }
0x1e: {  	_ =	swait.ge [sflag:s14], $0x1400  }
0x1f: {  	[sflag:s14] =	ssyncset.done $0x0  }
0x20: {  	[sflag:s14] =	ssyncadd.s32 $0xFFFFEC00  }
0x21: {  	[tilespmem:s17], [sflag:$0x1] =	stream.indirect.gather [hbm4b:s2+s16], $0x80, s4, s16, $0xb8;
	[tilespmem:$0x1EC00] =	vst v63  }
0x22: {  	_ =	swait.ge [sflag:s18], $0x4000  }
0x23: {  	[sflag:s18] =	ssyncset.done $0x0  }
0x24: {  	s21 =	simm.s32 $0x80;
	[sflag:s18] =	ssyncadd.s32 $0xFFFFC000  }
0x25: {  	[tilespmem:s19], [sflag:$0x1] =	stream.indirect.gather [hbm4b:s2+s16], $0x80, s21, s16, $0xb8;
	[tilespmem:$0x1EC00] =	vst v63  }
0x26: {  	s29 =	simm.s32 $0x1800  }
0x27: {  	[spmem:s3] =	stream.indirect.scatter.add.f32 [tilespmem:s17], [sflag:$0x2], $0x80, s29, s16, $0xb8;
	[tilespmem:$0x1EC00] =	vst v63  }
0x28: {  	_ =	swait.ge [sflag:s14], $0x4000  }
0x29: {  	[sflag:s14] =	ssyncset.done $0x0  }
0x2a: {  	[sflag:s14] =	ssyncadd.s32 $0xFFFFC000  }
0x2b: {  	_ =	swait.ge [sflag:s18], $0x4000  }
0x2c: {  	[sflag:s18] =	ssyncset.done $0x0  }
0x2d: {  	s30 =	simm.s32 $0x100;
	[sflag:s18] =	ssyncadd.s32 $0xFFFFC000  }
0x2e: {  	[tilespmem:s17], [sflag:$0x1] =	stream.indirect.gather [hbm4b:s2+s16], $0x80, s30, s16, $0xb8;
	[tilespmem:$0x1EC00] =	vst v63  }
0x2f: {  	s31 =	simm.s32 $0x1880  }
0x30: {  	[spmem:s3] =	stream.indirect.scatter.add.f32 [tilespmem:s19], [sflag:$0x2], $0x80, s31, s16, $0xb8;
	[tilespmem:$0x1EC00] =	vst v63  }
0x31: {  	_ =	swait.ge [sflag:s14], $0x4000  }
0x32: {  	s21 =	simm.s32 $0x400;
	[sflag:s14] =	ssyncset.done $0x0  }
.LBB2_2:
0x33: {  	p0 =	sne.s32 s21, $0x4C00  }
0x34: {  	[sflag:s14] =	ssyncadd.s32 $0xFFFFC000;
	s22 =	smov.u32 s21;
	s21 =	sadd.s32 $0x400, s21  }
0x35: {  	_ = 	snop  }
0x36: {  	_ =	swait.ge [sflag:s18], $0x4000  }
0x37: {  	s22 =	sshra.s32 s22, $0x2;
	[sflag:s18] =	ssyncset.done $0x0  }
0x38: {  	s23 =	sadd.s32 $0x80, s22;
	[sflag:s18] =	ssyncadd.s32 $0xFFFFC000  }
0x39: {  	[tilespmem:s19], [sflag:$0x1] =	stream.indirect.gather [hbm4b:s2+s16], $0x80, s23, s16, $0xb8;
	[tilespmem:$0x1EC00] =	vst v63  }
0x3a: {  	s23 =	sadd.s32 $0x1800, s22  }
0x3b: {  	[spmem:s3] =	stream.indirect.scatter.add.f32 [tilespmem:s17], [sflag:$0x2], $0x80, s23, s16, $0xb8;
	[tilespmem:$0x1EC00] =	vst v63  }
0x3c: {  	_ =	swait.ge [sflag:s14], $0x4000  }
0x3d: {  	[sflag:s14] =	ssyncset.done $0x0  }
0x3e: {  	[sflag:s14] =	ssyncadd.s32 $0xFFFFC000  }
0x3f: {  	_ =	swait.ge [sflag:s18], $0x4000  }
0x40: {  	[sflag:s18] =	ssyncset.done $0x0  }
0x41: {  	s23 =	sadd.s32 $0x100, s22;
	[sflag:s18] =	ssyncadd.s32 $0xFFFFC000  }
0x42: {  	[tilespmem:s17], [sflag:$0x1] =	stream.indirect.gather [hbm4b:s2+s16], $0x80, s23, s16, $0xb8;
	[tilespmem:$0x1EC00] =	vst v63  }
.Ltmp0:
0x43: {  	_ = 	snop;
	(pc) =	sbr.rel @p0 .LBB2_2-.Ltmp0, $4  }
0x44: {  	s22 =	sadd.s32 $0x1880, s22  }
0x45: {  	[spmem:s3] =	stream.indirect.scatter.add.f32 [tilespmem:s19], [sflag:$0x2], $0x80, s22, s16, $0xb8;
	[tilespmem:$0x1EC00] =	vst v63  }
0x46: {  	_ =	swait.ge [sflag:s14], $0x4000  }
0x47: {  	[sflag:s14] =	ssyncset.done $0x0  }
0x48: {  	[sflag:s14] =	ssyncadd.s32 $0xFFFFC000  }
0x49: {  	_ =	swait.ge [sflag:s18], $0x4000  }
0x4a: {  	[sflag:s18] =	ssyncset.done $0x0  }
0x4b: {  	s21 =	simm.s32 $0x0;
	[sflag:s18] =	ssyncadd.s32 $0xFFFFC000  }
0x4c: {  	[tilespmem:s21], [sflag:$0x2] =	stream.linear.gather [hbm4b:s9+s21], $0x1800, $0x38;
	[tilespmem:$0x1EC00] =	vst v63  }
0x4d: {  	_ =	swait.ge [sflag:s14], $0x1800  }
0x4e: {  	[sflag:s14] =	ssyncset.done $0x0  }
0x4f: {  	[sflag:s14] =	ssyncadd.s32 $0xFFFFE800  }
0x50: {  	[tilespmem:s15], [sflag:$0x2] =	stream.linear.gather [hbm4b:s10+s21], $0x1400, $0x38;
	[tilespmem:$0x1EC00] =	vst v63  }
0x51: {  	_ =	swait.ge [sflag:s14], $0x1400  }
0x52: {  	[sflag:s14] =	ssyncset.done $0x0  }
0x53: {  	[sflag:s14] =	ssyncadd.s32 $0xFFFFEC00  }
0x54: {  	[tilespmem:s17], [sflag:$0x1] =	stream.indirect.gather [hbm4b:s2+s16], $0x80, s21, s16, $0xb8;
	[tilespmem:$0x1EC00] =	vst v63  }
0x55: {  	_ =	swait.ge [sflag:s18], $0x4000  }
0x56: {  	[sflag:s18] =	ssyncset.done $0x0  }
0x57: {  	s28 =	simm.s32 $0x80;
	[sflag:s18] =	ssyncadd.s32 $0xFFFFC000  }
0x58: {  	[tilespmem:s19], [sflag:$0x1] =	stream.indirect.gather [hbm4b:s2+s16], $0x80, s28, s16, $0xb8;
	[tilespmem:$0x1EC00] =	vst v63  }
0x59: {  	s29 =	simm.s32 $0x1800  }
0x5a: {  	[spmem:s3] =	stream.indirect.scatter.add.f32 [tilespmem:s17], [sflag:$0x2], $0x80, s29, s16, $0xb8;
	[tilespmem:$0x1EC00] =	vst v63  }
0x5b: {  	_ =	swait.ge [sflag:s14], $0x4000  }
0x5c: {  	[sflag:s14] =	ssyncset.done $0x0  }
0x5d: {  	[sflag:s14] =	ssyncadd.s32 $0xFFFFC000  }
0x5e: {  	_ =	swait.ge [sflag:s18], $0x4000  }
0x5f: {  	[sflag:s18] =	ssyncset.done $0x0  }
0x60: {  	s30 =	simm.s32 $0x100;
	[sflag:s18] =	ssyncadd.s32 $0xFFFFC000  }
0x61: {  	[tilespmem:s17], [sflag:$0x1] =	stream.indirect.gather [hbm4b:s2+s16], $0x80, s30, s16, $0xb8;
	[tilespmem:$0x1EC00] =	vst v63  }
0x62: {  	s31 =	simm.s32 $0x1880  }
0x63: {  	[spmem:s3] =	stream.indirect.scatter.add.f32 [tilespmem:s19], [sflag:$0x2], $0x80, s31, s16, $0xb8;
	[tilespmem:$0x1EC00] =	vst v63  }
0x64: {  	_ =	swait.ge [sflag:s14], $0x4000  }
0x65: {  	s21 =	simm.s32 $0x400;
	[sflag:s14] =	ssyncset.done $0x0  }
.LBB2_4:
0x66: {  	p0 =	sne.s32 s21, $0x4C00  }
0x67: {  	[sflag:s14] =	ssyncadd.s32 $0xFFFFC000;
	s22 =	smov.u32 s21;
	s21 =	sadd.s32 $0x400, s21  }
0x68: {  	_ = 	snop  }
0x69: {  	_ =	swait.ge [sflag:s18], $0x4000  }
0x6a: {  	s22 =	sshra.s32 s22, $0x2;
	[sflag:s18] =	ssyncset.done $0x0  }
0x6b: {  	s23 =	sadd.s32 $0x80, s22;
	[sflag:s18] =	ssyncadd.s32 $0xFFFFC000  }
0x6c: {  	[tilespmem:s19], [sflag:$0x1] =	stream.indirect.gather [hbm4b:s2+s16], $0x80, s23, s16, $0xb8;
	[tilespmem:$0x1EC00] =	vst v63  }
0x6d: {  	s23 =	sadd.s32 $0x1800, s22  }
0x6e: {  	[spmem:s3] =	stream.indirect.scatter.add.f32 [tilespmem:s17], [sflag:$0x2], $0x80, s23, s16, $0xb8;
	[tilespmem:$0x1EC00] =	vst v63  }
0x6f: {  	_ =	swait.ge [sflag:s14], $0x4000  }
0x70: {  	[sflag:s14] =	ssyncset.done $0x0  }
0x71: {  	[sflag:s14] =	ssyncadd.s32 $0xFFFFC000  }
0x72: {  	_ =	swait.ge [sflag:s18], $0x4000  }
0x73: {  	[sflag:s18] =	ssyncset.done $0x0  }
0x74: {  	s23 =	sadd.s32 $0x100, s22;
	[sflag:s18] =	ssyncadd.s32 $0xFFFFC000  }
0x75: {  	[tilespmem:s17], [sflag:$0x1] =	stream.indirect.gather [hbm4b:s2+s16], $0x80, s23, s16, $0xb8;
	[tilespmem:$0x1EC00] =	vst v63  }
.Ltmp1:
0x76: {  	_ = 	snop;
	(pc) =	sbr.rel @p0 .LBB2_4-.Ltmp1, $4  }
0x77: {  	s22 =	sadd.s32 $0x1880, s22  }
0x78: {  	[spmem:s3] =	stream.indirect.scatter.add.f32 [tilespmem:s19], [sflag:$0x2], $0x80, s22, s16, $0xb8;
	[tilespmem:$0x1EC00] =	vst v63  }
0x79: {  	_ =	swait.ge [sflag:s14], $0x4000  }
0x7a: {  	[sflag:s14] =	ssyncset.done $0x0  }
0x7b: {  	[sflag:s14] =	ssyncadd.s32 $0xFFFFC000  }
0x7c: {  	_ =	swait.ge [sflag:s18], $0x4000  }
0x7d: {  	s20 =	sadd.s32 $0x1, s20;
	[sflag:s18] =	ssyncset.done $0x0  }
0x7e: {  	p0 =	sne.s32 s20, s12;
	[sflag:s18] =	ssyncadd.s32 $0xFFFFC000  }
.Ltmp2:
0x7f: {  	[bflag:$0x0] =	sbarrier.arrive $0xFFFF;
	(pc) =	sbr.rel @p0 .LBB2_1-.Ltmp2, $4  }
0x80: {  	[hbm:s11], [sflag:s6] =	dma.local [spmem:s13], $0x2800  }
0x81: {  	_ =	swait.ge [sflag:s14], $0x2800  }
0x82: {  	[sflag:s14] =	ssyncset.done $0x0  }
0x83: {  	[sflag:s14] =	ssyncadd.s32 $0xFFFFD800  }
0x84: {  	_ =	sfence.sel $0x180000  }
0x85: {  	[bflag:$0x0] =	sbarrier.arrive $0xFFFF  }
0x86: {  	p0 =	sne.s32 s1, $0x0;
	_ =	strace $0x9000004D  }
0x87: {  	s0 =	sadd.s32 @!p0 $0x100000, s0;
	[bflag:$0x2] =	sbarrier.arrive $0xFFFF  }
0x88: {  	[sflag:s0] =	ssyncadd.tile.s32 @!p0 $0x1;
	_ =	shalt  }
.Lfunc_end2:
_tile_overlayer_lowered:
.L_overlay_start_2:
0x89: {  	(tag) =	ssettag $0x2  }
0x8a: {  	s0 =	rddreg [dreg:$0x0];
	s2 =	stileid.u32  }
0x8b: {  	s1 =	rddreg [dreg:$0x1];
	p0 =	sne.s32 s2, $0x0  }
0x8c: {  	s3 =	rddreg [dreg:$0x2];
	[bflag:$0x3] =	sbarrier.arrive $0xFFFF;
	s2 =	simm.s32 @!p0 $0x1C02  }
0x8d: {  	[timem:s3], [sflag:s2] =	dma.local @!p0 [hbm:s0], s1  }
0x8e: {  	s0 =	simm.s32 @!p0 $0x2  }
0x8f: {  	_ =	swait.ge @!p0 [sflag:s0], s1  }
0x90: {  	s1 =	ssub.s32 @!p0 $0x0, s1;
	[sflag:s0] =	ssyncset.done @!p0 $0x0  }
0x91: {  	[sflag:s0] =	ssyncadd.s32 @!p0 s1  }
0x92: {  	[bflag:$0x3] =	sbarrier.arrive $0xFFFF  }
0x93: {  	_ =	shalt  }

// kernel: kernel.8.cloned.1.call-start
scs
__scs_entry_jumppad:
0x0: {  	(pc) =	sbr.rel $0x88, $3  }
0x1: {  	(tag) =	ssettag $0x0;
	lr =	simm.s32 $0x1  }
0x2: {  	[smem:$0x3F9B] =	sst lr;
	_ =	strace $0xD0000000  }
0x3: {  	_ = 	snop  }
0x4: {  	_ = 	snop  }
0x5: {  	_ = 	snop  }
0x6: {  	_ = 	snop  }
0x7: {  	_ = 	snop  }
__scs_overlays_trampoline_lowered:
0x8: {  	[smem:$0x3FAA] =	sst s0  }
0x9: {  	[smem:$0x3FAB] =	sst s1  }
0xa: {  	[smem:$0x3FAC] =	sst s2  }
0xb: {  	[smem:$0x3FAD] =	sst s3  }
0xc: {  	[smem:$0x3FAE] =	sst s4  }
0xd: {  	[smem:$0x3FAF] =	sst s5  }
0xe: {  	[smem:$0x3FB0] =	sst s6  }
0xf: {  	[smem:$0x3FB1] =	sst s7  }
0x10: {  	[smem:$0x3FB2] =	sst s8  }
0x11: {  	[smem:$0x3FB3] =	sst s9;
	s0 =	simm.s32 @!p0 $0x0  }
0x12: {  	s1 =	sld [smem:$0x3F99];
	s0 =	simm.s32 @p0 $0x1  }
0x13: {  	[smem:$0x3FB4] =	sst s0;
	s0 =	simm.s32 @!p1 $0x0  }
0x14: {  	s2 =	sld [smem:$0x3F98];
	s0 =	simm.s32 @p1 $0x1  }
0x15: {  	[smem:$0x3FB5] =	sst s0;
	s0 =	simm.s32 @!p2 $0x0  }
0x16: {  	s3 =	sld [smem:$0x3FDB];
	s0 =	simm.s32 @p2 $0x1  }
0x17: {  	s4 =	simm.s32 $0x1BF5;
	[smem:$0x3FB7] =	sst s0  }
0x18: {  	s0 =	sld [smem:$0x3F9A];
	_ =	swait.ge [sflag:s4], $0x0  }
0x19: {  	s7 =	sld [smem:$0x3F9B]  }
0x1a: {  	s8 =	sadd.s32 $0xFFFFE003, lr  }
0x1b: {  	s9 =	sadd.s32 $0xFFFFFEF7, lr;
	s5 =	simm.s32 $0xFFFFFFFF;
	p2 =	slt.u32 s8, $0xFFFFF086  }
0x1c: {  	p1 =	slt.u32 s9, $0xF7A;
	s5 =	simm.s32 @!p2 $0x0  }
0x1d: {  	s5 =	simm.s32 @p1 $0x1;
	p0 =	seq.s32 s7, s2  }
0x1e: {  	s7 =	smul.u32 @!p0 $0xF7A, s2;
	p2 =	seq.s32 @!p0 s5, $0x0  }
0x1f: {  	s9 =	smul.u32 $0xF7A, s1;
	s8 =	simm.s32 @!p0 $0x1BF5;
	p2 =	por !p2, p0  }
0x20: {  	[sflag:s8] =	ssyncset.s32 @!p0 $0xFFFFF086;
	s6 =	sadd.s32 @!p0 s3, s7;
	s7 =	simm.s32 @!p0 $0x108  }
0x21: {  	s3 =	sadd.s32 s3, s9;
	s6 =	sadd.s32 @!p0 $0x88, s6;
	s7 =	simm.s32 @p2 $0x1082  }
0x22: {  	[simem:s7], [sflag:s8] =	dma.local @!p0 [hbm:s6], $0xF7A  }
0x23: {  	s9 =	sor.u32 $0xD0000000, s2;
	s6 =	simm.s32 $0x108;
	_ =	swait.ge @!p0 [sflag:s8], $0x0  }
0x24: {  	s3 =	sadd.s32 $0x88, s3;
	s6 =	simm.s32 @!p1 $0x1082;
	[sflag:s4] =	ssyncset.s32 $0xFFFFF086  }
0x25: {  	[simem:s6], [sflag:s4] =	dma.local [hbm:s3], $0xF7A  }
0x26: {  	[smem:$0x3F9B] =	sst s1;
	(tag) =	ssettag s2;
	_ =	strace s9  }
0x27: {  	s1 =	sld [smem:$0x3FAB]  }
0x28: {  	s2 =	sld [smem:$0x3FAC]  }
0x29: {  	s4 =	sld [smem:$0x3FAE]  }
0x2a: {  	p0 =	seq.s32 s5, $0x0;
	s5 =	sld [smem:$0x3FAF]  }
0x2b: {  	s6 =	sld [smem:$0x3FB0]  }
0x2c: {  	s7 =	sld [smem:$0x3FB1]  }
0x2d: {  	s3 =	simm.s32 $0x108;
	s8 =	sld [smem:$0x3FB2]  }
0x2e: {  	s3 =	simm.s32 @!p0 $0x1082;
	s9 =	sld [smem:$0x3FB3]  }
0x2f: {  	lr =	sadd.s32 s0, s3;
	s0 =	sld [smem:$0x3FAA]  }
0x30: {  	s3 =	sld [smem:$0x3FAD]  }
0x31: {  	[smem:$0x3FB6] =	sst s10  }
0x32: {  	s10 =	sld [smem:$0x3FB4];
	_ =	sdelay $0x3  }
0x33: {  	p0 =	seq.s32 s10, $0x1;
	s10 =	sld [smem:$0x3FB6];
	_ =	sdelay $0x3  }
0x34: {  	[smem:$0x3FB6] =	sst s10  }
0x35: {  	s10 =	sld [smem:$0x3FB5];
	_ =	sdelay $0x3  }
0x36: {  	p1 =	seq.s32 s10, $0x1;
	s10 =	sld [smem:$0x3FB6];
	_ =	sdelay $0x3  }
0x37: {  	[smem:$0x3FB6] =	sst s10  }
0x38: {  	s10 =	sld [smem:$0x3FB7]  }
0x39: {  	_ = 	snop;
	(pc) =	sbr.ind lr, $3  }
0x3a: {  	_ = 	snop  }
0x3b: {  	_ = 	snop  }
0x3c: {  	p2 =	seq.s32 s10, $0x1;
	s10 =	sld [smem:$0x3FB6]  }
0x3d: {  	_ =	shalt  }
0x3e: {  	_ =	shalt  }
0x3f: {  	_ =	shalt  }
0x40: {  	_ =	shalt  }
0x41: {  	_ =	shalt  }
0x42: {  	_ =	shalt  }
0x43: {  	_ =	shalt  }
0x44: {  	_ =	shalt  }
0x45: {  	_ =	shalt  }
0x46: {  	_ =	shalt  }
0x47: {  	_ =	shalt  }
0x48: {  	_ =	shalt  }
0x49: {  	_ =	shalt  }
0x4a: {  	_ =	shalt  }
0x4b: {  	_ =	shalt  }
0x4c: {  	_ =	shalt  }
0x4d: {  	_ =	shalt  }
0x4e: {  	_ =	shalt  }
0x4f: {  	_ =	shalt  }
0x50: {  	_ =	shalt  }
0x51: {  	_ =	shalt  }
0x52: {  	_ =	shalt  }
0x53: {  	_ =	shalt  }
0x54: {  	_ =	shalt  }
0x55: {  	_ =	shalt  }
0x56: {  	_ =	shalt  }
0x57: {  	_ =	shalt  }
0x58: {  	_ =	shalt  }
0x59: {  	_ =	shalt  }
0x5a: {  	_ =	shalt  }
0x5b: {  	_ =	shalt  }
0x5c: {  	_ =	shalt  }
0x5d: {  	_ =	shalt  }
0x5e: {  	_ =	shalt  }
0x5f: {  	_ =	shalt  }
0x60: {  	_ =	shalt  }
0x61: {  	_ =	shalt  }
0x62: {  	_ =	shalt  }
0x63: {  	_ =	shalt  }
0x64: {  	_ =	shalt  }
0x65: {  	_ =	shalt  }
0x66: {  	_ =	shalt  }
0x67: {  	_ =	shalt  }
0x68: {  	_ =	shalt  }
0x69: {  	_ =	shalt  }
0x6a: {  	_ =	shalt  }
0x6b: {  	_ =	shalt  }
0x6c: {  	_ =	shalt  }
0x6d: {  	_ =	shalt  }
0x6e: {  	_ =	shalt  }
0x6f: {  	_ =	shalt  }
0x70: {  	_ =	shalt  }
0x71: {  	_ =	shalt  }
0x72: {  	_ =	shalt  }
0x73: {  	_ =	shalt  }
0x74: {  	_ =	shalt  }
0x75: {  	_ =	shalt  }
0x76: {  	_ =	shalt  }
0x77: {  	_ =	shalt  }
0x78: {  	_ =	shalt  }
0x79: {  	_ =	shalt  }
0x7a: {  	_ =	shalt  }
0x7b: {  	_ =	shalt  }
0x7c: {  	_ =	shalt  }
0x7d: {  	_ =	shalt  }
0x7e: {  	_ =	shalt  }
0x7f: {  	_ =	shalt  }
0x80: {  	_ =	shalt  }
0x81: {  	_ =	shalt  }
0x82: {  	_ =	shalt  }
0x83: {  	_ =	shalt  }
0x84: {  	_ =	shalt  }
0x85: {  	_ =	shalt  }
0x86: {  	_ =	shalt  }
0x87: {  	_ =	shalt  }
.Lfunc_end0:
.L_simem_size_0:
called_computation_lowered:
.L_overlay_start_0:
0x88: {  	s2 =	sld [smem:$0x3FD9]  }
0x89: {  	s3 =	sld [smem:$0x3FFE];
	_ =	sdelay $0x1  }
0x8a: {  	s1 =	srdreg.scid  }
0x8b: {  	s0 =	sand.u32 $0x1, s1  }
0x8c: {  	s17 =	sshll.u32 s0, $0xA;
	s2 =	sadd.s32 s3, s2  }
0x8d: {  	s2 =	sadd.s32 s2, s17  }
0x8e: {  	[smem:$0x3FC2] =	sst s2  }
0x8f: {  	_ = 	snop  }
0x90: {  	s2 =	sld [smem:$0x3FD0];
	(tm) =	ssettm $0x1  }
0x91: {  	s18 =	sld [smem:$0x3FFB];
	_ =	sdelay $0x3  }
0x92: {  	_ =	strace s18  }
0x93: {  	s3 =	sld [smem:$0x3FFC];
	_ =	sdelay $0x3  }
0x94: {  	_ =	strace s3  }
0x95: {  	s3 =	sld [smem:$0x3FFD];
	_ =	sdelay $0x3  }
0x96: {  	_ =	strace s3  }
0x97: {  	_ =	strace $0x8FFFFFFF  }
0x98: {  	s19 =	sld [smem:$0x3FDB];
	_ =	sdelay $0x1  }
0x99: {  	s4 =	simm.s32 $_scs_section_size  }
0x9a: {  	s5 =	simm.s32 $_size__tile_overlayer_lowered;
	s6 =	simm.s32 $_tile_overlayer_lowered  }
0x9b: {  	s22 =	simm.s32 $0x1BFF;
	s21 =	sshll.u32 s6, $0x1;
	s3 =	sadd.s32 s4, s19  }
0x9c: {  	s7 =	simm.s32 $0x0;
	s20 =	sshll.u32 s5, $0x1;
	s5 =	sadd.s32 s21, s3  }
0x9d: {  	[timem:s7], [sflag:s22] =	dma.local [hbm:s5], s20  }
0x9e: {  	_ =	swait.ge [sflag:s22], s20  }
0x9f: {  	s4 =	ssub.s32 $0x0, s20;
	[sflag:s22] =	ssyncset.done $0x0  }
0xa0: {  	[sflag:s22] =	ssyncadd.s32 s4;
	_ =	sdelay $0x1  }
0xa1: {  	s23 =	simm.s32 $0x1B8B  }
0xa2: {  	_ =	swait.ge [sflag:s23], $0x1  }
0xa3: {  	[sflag:s23] =	ssyncset.done $0x0  }
0xa4: {  	s25 =	simm.s32 $0x1B8E;
	s24 =	sld [smem:$0x3FFE];
	[sflag:s23] =	ssyncadd.s32 $0xFFFFFFFF  }
0xa5: {  	s26 =	simm.s32 $execute0_lowered;
	[smem:$0x3FD2] =	sst s25  }
0xa6: {  	s5 =	sshll.u32 s26, $0x1;
	_ =	strace $0x80000046;
	[dreg:$0x1] =	wrdreg $0xFFFFFFFF  }
0xa7: {  	s28 =	simm.s32 $_size_execute0_lowered;
	s3 =	sadd.s32 s3, s5;
	[dreg:$0x0] =	wrdreg $0x0  }
0xa8: {  	s5 =	sshll.u32 s28, $0x1;
	[dreg:$0x2] =	wrdreg s3  }
0xa9: {  	[dreg:$0x3] =	wrdreg s5  }
0xaa: {  	[dreg:$0x4] =	wrdreg $0xC0  }
0xab: {  	_ =	task [dreg:s7], $0x5FFFF  }
0xac: {  	[dreg:$0x1] =	wrdreg $0xFFFFFFFF  }
0xad: {  	[dreg:$0x0] =	wrdreg $0x60  }
0xae: {  	[dreg:$0x2] =	wrdreg s24  }
0xaf: {  	[dreg:$0x3] =	wrdreg s2  }
0xb0: {  	[dreg:$0x4] =	wrdreg $0x28800  }
0xb1: {  	[dreg:$0x5] =	wrdreg $0x9  }
0xb2: {  	_ =	task.clear_ibuf [dreg:s7], $0x6FFFF;
	_ =	strace $0x90000046  }
0xb3: {  	s29 =	simm.s32 $0x9;
	_ =	strace $0x80000048  }
0xb4: {  	_ =	swait.ge [sflag:s29], $0x1  }
0xb5: {  	[sflag:s29] =	ssyncadd.s32 $0xFFFFFFFF  }
0xb6: {  	_ =	strace $0x90000048  }
0xb7: {  	_ =	sfence  }
0xb8: {  	s30 =	sld [smem:$0x0];
	_ =	sdelay $0x2  }
0xb9: {  	s31 =	sshll.u32 s1, $0xD;
	s1 =	sshrl.u32 s1, $0x2  }
0xba: {  	s3 =	sand.u32 $0x4000, s31;
	s1 =	sadd.s32 s1, s30  }
0xbb: {  	s0 =	sor.u32 s3, s0;
	s1 =	sshll.u32 s1, $0x11  }
0xbc: {  	s0 =	sor.u32 s1, s0  }
0xbd: {  	s0 =	sadd.s32 $0x8F2B, s0  }
0xbe: {  	[sflag:s0] =	ssyncadd.remote.s32 $0x1  }
0xbf: {  	_ =	sfence.sel $0xFFFF  }
0xc0: {  	[dreg:$0x0] =	wrdreg $0xFFFFFFFF;
	(pc) =	sbr.abs _section_cstart, $3  }
0xc1: {  	[dreg:$0x1] =	wrdreg $0xFFFFFFFF  }
0xc2: {  	_ =	task.clear_ibuf [dreg:s7], $0x2FFFF;
	_ =	strace $0x9FFFFFFF  }
0xc3: {  	(tm) =	ssettm $0x7FFFFFFF  }
tec
execute0_lowered:
.L_overlay_start_1:
0x0: {  	(tag) =	ssettag $0x1  }
0x1: {  	s5 =	rddreg [dreg:$0x0]  }
0x2: {  	s0 =	srdreg.scid;
	s8 =	rddreg [dreg:$0x1]  }
0x3: {  	s2 =	rddreg [dreg:$0x2];
	s3 =	simm.s32 $0x0;
	s13 =	simm.s32 $0x80  }
0x4: {  	s14 =	simm.s32 $0x0;
	s4 =	sand.u32 $0x1, s0;
	s0 =	stileid.u32  }
0x5: {  	[smem:$0x7FF] =	sst s3;
	s1 =	sshll.u32 s4, $0x4;
	s7 =	smul.u32 $0x280, s0  }
0x6: {  	s10 =	ssub.s32 $0x2, s4;
	s11 =	smul.u32 $0x2800, s4;
	s4 =	sadd.s32 $0xC000, s5  }
0x7: {  	s31 =	sshll.u32 s0, $0x6;
	s6 =	sor.u32 s0, s1;
	s1 =	rddreg [dreg:$0x3]  }
0x8: {  	_ =	strace $0x80000047;
	s29 =	sshrl.u32 s10, $0x1;
	s6 =	smul.u32 $0x500, s6  }
0x9: {  	s28 =	sshrl.u32 s7, $0x3;
	s10 =	ssub.s32 s10, s29;
	s30 =	sadd.s32 s7, s11  }
0xa: {  	s12 =	sadd.s32 s7, s2;
	s11 =	sshrl.u32 s30, $0x3;
	s9 =	sadd.s32 s6, s5  }
0xb: {  	s5 =	sadd.s32 s28, s5;
	s6 =	sor.u32 $0x1C01, s31;
	s8 =	sadd.s32 s8, s11  }
0xc: {  	s11 =	simm.s32 $0x1;
	s5 =	sadd.s32 $0xC200, s5;
	s7 =	sadd.s32 $0x2000, s9  }
0xd: {  	s9 =	smax.u32 s10, $0x1;
	s10 =	sshrl.u32 s12, $0x3;
	s12 =	simm.s32 $0x2800  }
.LBB2_1:
0xe: {  	[spmem:s10], [sflag:s6] =	dma.local [hbm:s5], $0x50  }
0xf: {  	_ =	swait.ge [sflag:s11], $0x50  }
0x10: {  	[sflag:s11] =	ssyncset.done $0x0  }
0x11: {  	[sflag:s11] =	ssyncadd.s32 $0xFFFFFFB0  }
0x12: {  	[tilespmem:s3], [sflag:$0x1] =	stream.linear.gather [hbm4b:s7+s3], $0x2800, $0x38;
	[tilespmem:$0x2B00] =	vst v63  }
0x13: {  	_ =	swait.ge [sflag:s11], $0x2800  }
0x14: {  	[sflag:s11] =	ssyncset.done $0x0  }
0x15: {  	[sflag:s11] =	ssyncadd.s32 $0xFFFFD800  }
0x16: {  	[tilespmem:s12], [sflag:$0x1] =	stream.linear.gather [hbm4b:s4+s3], $0x80, $0x38;
	[tilespmem:$0x2B00] =	vst v63  }
0x17: {  	_ =	swait.ge [sflag:s11], $0x80  }
0x18: {  	[sflag:s11] =	ssyncset.done $0x0  }
0x19: {  	[sflag:s11] =	ssyncadd.s32 $0xFFFFFF80  }
0x1a: {  	s15 =	simm.s32 $0x0;
	[bflag:$0x0] =	sbarrier.arrive $0xFFFF  }
0x1b: {  	[spmem:s2] =	stream.indirect.scatter.add.f32 [tilespmem:s12], [sflag:$0x1], $0x1, s15, s13, $0xb8;
	[tilespmem:$0x2B00] =	vst v63  }
0x1c: {  	_ =	swait.ge [sflag:s11], $0x80  }
0x1d: {  	s15 =	simm.s32 $0x200;
	[sflag:s11] =	ssyncset.done $0x0  }
.LBB2_2:
0x1e: {  	s16 =	sshra.s32 s15, $0x2;
	[sflag:s11] =	ssyncadd.s32 $0xFFFFFF80;
	p0 =	sne.s32 s15, $0x9E00  }
0x1f: {  	[spmem:s2] =	stream.indirect.scatter.add.f32 [tilespmem:s12], [sflag:$0x1], $0x1, s16, s13, $0xb8;
	[tilespmem:$0x2B00] =	vst v63  }
.Ltmp0:
0x20: {  	_ = 	snop;
	(pc) =	sbr.rel @p0 .LBB2_2-.Ltmp0, $4  }
0x21: {  	_ = 	snop  }
0x22: {  	s15 =	sadd.s32 $0x200, s15  }
0x23: {  	_ =	swait.ge [sflag:s11], $0x80  }
0x24: {  	[sflag:s11] =	ssyncset.done $0x0  }
0x25: {  	s14 =	sadd.s32 $0x1, s14  }
0x26: {  	[sflag:s11] =	ssyncadd.s32 $0xFFFFFF80;
	p0 =	sne.s32 s14, s9  }
.Ltmp1:
0x27: {  	[bflag:$0x0] =	sbarrier.arrive $0xFFFF;
	(pc) =	sbr.rel @p0 .LBB2_1-.Ltmp1, $4  }
0x28: {  	[hbm:s8], [sflag:s6] =	dma.local [spmem:s10], $0x50  }
0x29: {  	_ =	swait.ge [sflag:s11], $0x50  }
0x2a: {  	[sflag:s11] =	ssyncset.done $0x0  }
0x2b: {  	[sflag:s11] =	ssyncadd.s32 $0xFFFFFFB0  }
0x2c: {  	_ =	sfence.sel $0x180000  }
0x2d: {  	[bflag:$0x0] =	sbarrier.arrive $0xFFFF  }
0x2e: {  	p0 =	sne.s32 s0, $0x0;
	_ =	strace $0x90000047  }
0x2f: {  	s0 =	sadd.s32 @!p0 $0x100000, s1;
	[bflag:$0x2] =	sbarrier.arrive $0xFFFF  }
0x30: {  	[sflag:s0] =	ssyncadd.tile.s32 @!p0 $0x1;
	_ =	shalt  }
.Lfunc_end2:
_tile_overlayer_lowered:
.L_overlay_start_2:
0x31: {  	(tag) =	ssettag $0x2  }
0x32: {  	s0 =	rddreg [dreg:$0x0];
	s2 =	stileid.u32  }
0x33: {  	s1 =	rddreg [dreg:$0x1];
	p0 =	sne.s32 s2, $0x0  }
0x34: {  	s3 =	rddreg [dreg:$0x2];
	[bflag:$0x3] =	sbarrier.arrive $0xFFFF;
	s2 =	simm.s32 @!p0 $0x1C01  }
0x35: {  	[timem:s3], [sflag:s2] =	dma.local @!p0 [hbm:s0], s1  }
0x36: {  	s0 =	simm.s32 @!p0 $0x1  }
0x37: {  	_ =	swait.ge @!p0 [sflag:s0], s1  }
0x38: {  	s1 =	ssub.s32 @!p0 $0x0, s1;
	[sflag:s0] =	ssyncset.done @!p0 $0x0  }
0x39: {  	[sflag:s0] =	ssyncadd.s32 @!p0 s1  }
0x3a: {  	[bflag:$0x3] =	sbarrier.arrive $0xFFFF  }
0x3b: {  	_ =	shalt  }

</sc_bundles>
